<compile_context>
chip_gen: v7x
topology: tpu7x:2x2x1
jax: 0.10.2.dev20260603
libtpu: 0.0.44.dev20260713+nightly
codegen_flags: <defaults>
</compile_context>

<pallas_src>
import functools

import jax
import jax.numpy as jnp
from jax import lax
from jax.experimental import pallas as pl
from jax.experimental.pallas import tpu as pltpu
from jax.experimental.pallas import tpu_sc as plsc

N = 10000
E = 320000
F = 128

NC = 2
NS = 16
NW = NC * NS
PER_W = E // NW
K = 80
ITERS = PER_W // K
NPAD = 10240
ROWS_PER_TILE = NPAD // NS

BN = 1000
BE = 2560
XR = BE // F


def _node_pre_body(h_ref, c_ref, w1at_ref, w1bt_ref, b1_ref, w1r_ref,
                   a_ref, b_ref):
    h = h_ref[...]
    cc = c_ref[...]
    c2 = jnp.sum(cc * cc, axis=1, keepdims=True)
    rad = c2 * w1r_ref[...]
    a_ref[...] = jnp.dot(h, w1at_ref[...],
                         preferred_element_type=jnp.float32) + b1_ref[...] + rad
    b_ref[...] = jnp.dot(h, w1bt_ref[...],
                         preferred_element_type=jnp.float32) + rad


def _node_pre(h, coord, w1at, w1bt, b1, w1r):
    grid = (N // BN,)
    return pl.pallas_call(
        _node_pre_body,
        grid=grid,
        in_specs=[
            pl.BlockSpec((BN, F), lambda i: (i, 0)),
            pl.BlockSpec((BN, 3), lambda i: (i, 0)),
            pl.BlockSpec((F, F), lambda i: (0, 0)),
            pl.BlockSpec((F, F), lambda i: (0, 0)),
            pl.BlockSpec((1, F), lambda i: (0, 0)),
            pl.BlockSpec((1, F), lambda i: (0, 0)),
        ],
        out_specs=[
            pl.BlockSpec((BN, F), lambda i: (i, 0)),
            pl.BlockSpec((BN, F), lambda i: (i, 0)),
        ],
        out_shape=[
            jax.ShapeDtypeStruct((N, F), jnp.float32),
            jax.ShapeDtypeStruct((N, F), jnp.float32),
        ],
    )(h, coord, w1at, w1bt, b1, w1r)


def _gather_body(ta, tb, c3_hbm, row_hbm, col_hbm,
                 g1_hbm, g2_hbm, cx_hbm,
                 rowall, colall, c3v,
                 av0, bv0, av1, bv1, xv0, xv1,
                 gsem0, gsem1, wsem0, wsem1):
    wid = lax.axis_index("s") * NC + lax.axis_index("c")
    base = pl.multiple_of(wid * PER_W, 8)

    pltpu.sync_copy(row_hbm.at[pl.ds(base, PER_W)], rowall)
    pltpu.sync_copy(col_hbm.at[pl.ds(base, PER_W)], colall)
    pltpu.sync_copy(c3_hbm, c3v)

    zero16 = jnp.zeros((16,), jnp.int32)
    one16 = jnp.full((16,), 1, jnp.int32)
    two16 = jnp.full((16,), 2, jnp.int32)

    def start_g(i, av, bv, sem):
        o = pl.multiple_of(i * K, 8)
        pltpu.async_copy(ta.at[rowall.at[pl.ds(o, K)]], av, sem)
        pltpu.async_copy(tb.at[colall.at[pl.ds(o, K)]], bv, sem)

    def wait_g(av, bv, sem):
        idx0 = rowall.at[pl.ds(0, K)]
        pltpu.make_async_copy(ta.at[idx0], av, sem).wait()
        pltpu.make_async_copy(tb.at[idx0], bv, sem).wait()

    def cross_chunk(i, xv):
        o = pl.multiple_of(i * K, 8)
        for j in range(K // 16):
            ir = rowall[pl.ds(o + j * 16, 16)]
            ic = colall[pl.ds(o + j * 16, 16)]
            xr = plsc.load_gather(c3v, [zero16, ir])
            yr = plsc.load_gather(c3v, [one16, ir])
            zr = plsc.load_gather(c3v, [two16, ir])
            xc = plsc.load_gather(c3v, [zero16, ic])
            yc = plsc.load_gather(c3v, [one16, ic])
            zc = plsc.load_gather(c3v, [two16, ic])
            xv[pl.ds(j * 16, 16)] = xr * xc + yr * yc + zr * zc

    def start_w(i, av, bv, xv, sem):
        off = pl.multiple_of(base + i * K, 8)
        pltpu.async_copy(av, g1_hbm.at[pl.ds(off, K)], sem)
        pltpu.async_copy(bv, g2_hbm.at[pl.ds(off, K)], sem)
        pltpu.async_copy(xv, cx_hbm.at[pl.ds(off, K)], sem)

    def wait_w(av, bv, xv, sem):
        pltpu.make_async_copy(av, g1_hbm.at[pl.ds(0, K)], sem).wait()
        pltpu.make_async_copy(bv, g2_hbm.at[pl.ds(0, K)], sem).wait()
        pltpu.make_async_copy(xv, cx_hbm.at[pl.ds(0, K)], sem).wait()

    start_g(0, av0, bv0, gsem0)

    def body(t, carry):
        c0 = 2 * t

        @pl.when(t > 0)
        def _():
            wait_w(av1, bv1, xv1, wsem1)

        start_g(c0 + 1, av1, bv1, gsem1)
        cross_chunk(c0, xv0)
        wait_g(av0, bv0, gsem0)
        start_w(c0, av0, bv0, xv0, wsem0)
        wait_w(av0, bv0, xv0, wsem0)

        @pl.when(c0 + 2 < ITERS)
        def _():
            start_g(c0 + 2, av0, bv0, gsem0)

        cross_chunk(c0 + 1, xv1)
        wait_g(av1, bv1, gsem1)
        start_w(c0 + 1, av1, bv1, xv1, wsem1)
        return carry

    lax.fori_loop(0, ITERS // 2, body, 0)

    wait_w(av1, bv1, xv1, wsem1)
    cross_chunk(ITERS - 1, xv0)
    wait_g(av0, bv0, gsem0)
    start_w(ITERS - 1, av0, bv0, xv0, wsem0)
    wait_w(av0, bv0, xv0, wsem0)


def _sc_gather(ta, tb, c3, row, col):
    mesh = plsc.VectorSubcoreMesh(core_axis_name="c", subcore_axis_name="s")
    kfn = pl.kernel(
        _gather_body,
        out_type=[
            jax.ShapeDtypeStruct((E, F), jnp.float32),
            jax.ShapeDtypeStruct((E, F), jnp.float32),
            jax.ShapeDtypeStruct((E,), jnp.float32),
        ],
        mesh=mesh,
        scratch_types=[
            pltpu.VMEM((PER_W,), jnp.int32),
            pltpu.VMEM((PER_W,), jnp.int32),
            pltpu.VMEM((3, N), jnp.float32),
            pltpu.VMEM((K, F), jnp.float32),
            pltpu.VMEM((K, F), jnp.float32),
            pltpu.VMEM((K, F), jnp.float32),
            pltpu.VMEM((K, F), jnp.float32),
            pltpu.VMEM((K,), jnp.float32),
            pltpu.VMEM((K,), jnp.float32),
            pltpu.SemaphoreType.DMA,
            pltpu.SemaphoreType.DMA,
            pltpu.SemaphoreType.DMA,
            pltpu.SemaphoreType.DMA,
        ],
        compiler_params=pltpu.CompilerParams(needs_layout_passes=False),
    )
    return kfn(ta, tb, c3, row, col)


def _edge_body(g1_ref, g2_ref, x_ref, ea_ref,
               w1et_ref, w2t_ref, b2_ref, w1rn2_ref, y_ref):
    xb = x_ref[0]
    bcast = jnp.broadcast_to(xb.reshape(XR, 1, F), (XR, F, F)).reshape(BE, F)
    li = lax.broadcasted_iota(jnp.int32, (XR, F, F), 1).reshape(BE, F)
    ji = lax.broadcasted_iota(jnp.int32, (XR, F, F), 2).reshape(BE, F)
    diag = jnp.where(li == ji, bcast, 0.0)
    wfull = jnp.broadcast_to(w1rn2_ref[...], (F, F))
    pre1 = (g1_ref[...] + g2_ref[...]
            + jnp.dot(diag, wfull, preferred_element_type=jnp.float32)
            + jnp.dot(ea_ref[...], w1et_ref[...],
                      preferred_element_type=jnp.float32))
    m = pre1 * jax.nn.sigmoid(pre1)
    pre2 = jnp.dot(m, w2t_ref[...],
                   preferred_element_type=jnp.float32) + b2_ref[...]
    y_ref[...] = pre2 * jax.nn.sigmoid(pre2)


def _edge_mlp(g1, g2, x3, ea, w1et, w2t, b2, w1rn2):
    grid = (E // BE,)
    return pl.pallas_call(
        _edge_body,
        grid=grid,
        in_specs=[
            pl.BlockSpec((BE, F), lambda i: (i, 0)),
            pl.BlockSpec((BE, F), lambda i: (i, 0)),
            pl.BlockSpec((1, XR, F), lambda i: (i, 0, 0)),
            pl.BlockSpec((BE, 4), lambda i: (i, 0)),
            pl.BlockSpec((4, F), lambda i: (0, 0)),
            pl.BlockSpec((F, F), lambda i: (0, 0)),
            pl.BlockSpec((1, F), lambda i: (0, 0)),
            pl.BlockSpec((1, F), lambda i: (0, 0)),
        ],
        out_specs=pl.BlockSpec((BE, F), lambda i: (i, 0)),
        out_shape=jax.ShapeDtypeStruct((E, F), jnp.float32),
    )(g1, g2, x3, ea, w1et, w2t, b2, w1rn2)


HALF = 5120
ACC_ROWS = HALF + 128
ZROWS = ACC_ROWS // NS
PER_TILE_E = E // NS
SC_ITERS = PER_TILE_E // K
DUMP_ROWS = HALF // NS


def _scatter_body(y_hbm, row_hbm, zeros_hbm, out_hbm,
                  it0, it1, ix0, ix1, yv0, yv1, dumpv, acc,
                  lsem0, lsem1, ssem0, ssem1):
    c = lax.axis_index("c")
    s = lax.axis_index("s")
    base = pl.multiple_of(s * PER_TILE_E, 8)
    lo = c * HALF

    pltpu.sync_copy(zeros_hbm, acc.at[pl.ds(s * ZROWS, ZROWS)])

    def start_l(i, it, yv, sem):
        off = pl.multiple_of(base + i * K, 8)
        pltpu.async_copy(row_hbm.at[pl.ds(off, K)], it, sem)
        pltpu.async_copy(y_hbm.at[pl.ds(off, K)], yv, sem)

    def wait_l(it, yv, sem):
        pltpu.make_async_copy(row_hbm.at[pl.ds(0, K)], it, sem).wait()
        pltpu.make_async_copy(y_hbm.at[pl.ds(0, K)], yv, sem).wait()

    def remap(it, ix):
        for j in range(K // 16):
            v = it[pl.ds(j * 16, 16)]
            v2 = v - lo
            in_half = (v2 >= 0) & (v2 < HALF)
            ix[pl.ds(j * 16, 16)] = jnp.where(in_half, v2, HALF + (v & 127))

    def start_s(ix, yv, sem):
        pltpu.async_copy(yv, acc.at[ix], sem, add=True)

    def wait_s(ix, yv, sem):
        pltpu.make_async_copy(yv, acc.at[ix], sem).wait()

    start_l(0, it0, yv0, lsem0)
    plsc.subcore_barrier()

    def body(t, carry):
        c0 = 2 * t
        wait_l(it0, yv0, lsem0)
        remap(it0, ix0)
        start_s(ix0, yv0, ssem0)

        @pl.when(t > 0)
        def _():
            wait_s(ix1, yv1, ssem1)

        start_l(c0 + 1, it1, yv1, lsem1)
        wait_l(it1, yv1, lsem1)
        remap(it1, ix1)
        start_s(ix1, yv1, ssem1)
        wait_s(ix0, yv0, ssem0)

        @pl.when(t + 1 < SC_ITERS // 2)
        def _():
            start_l(c0 + 2, it0, yv0, lsem0)

        return carry

    lax.fori_loop(0, SC_ITERS // 2, body, 0)
    wait_s(ix1, yv1, ssem1)
    plsc.subcore_barrier()

    pltpu.sync_copy(acc.at[pl.ds(s * DUMP_ROWS, DUMP_ROWS)], dumpv)
    pltpu.sync_copy(dumpv, out_hbm.at[c].at[pl.ds(s * DUMP_ROWS, DUMP_ROWS)])


def _sc_scatter(y, row, zeros_nf):
    mesh = plsc.VectorSubcoreMesh(core_axis_name="c", subcore_axis_name="s")
    kfn = pl.kernel(
        _scatter_body,
        out_type=jax.ShapeDtypeStruct((NC, HALF, F), jnp.float32),
        mesh=mesh,
        scratch_types=[
            pltpu.VMEM((K,), jnp.int32),
            pltpu.VMEM((K,), jnp.int32),
            pltpu.VMEM((K,), jnp.int32),
            pltpu.VMEM((K,), jnp.int32),
            pltpu.VMEM((K, F), jnp.float32),
            pltpu.VMEM((K, F), jnp.float32),
            pltpu.VMEM((DUMP_ROWS, F), jnp.float32),
            pltpu.VMEM_SHARED((ACC_ROWS, F), jnp.float32),
            pltpu.SemaphoreType.DMA,
            pltpu.SemaphoreType.DMA,
            pltpu.SemaphoreType.DMA,
            pltpu.SemaphoreType.DMA,
        ],
    )
    return kfn(y, row, zeros_nf)


def _node_body(h_ref, agg_ref, w3at_ref, w3bt_ref, b3_ref,
               w4t_ref, b4_ref, out_ref):
    h = h_ref[...]
    agg = agg_ref[...]
    pre = (jnp.dot(h, w3at_ref[...], preferred_element_type=jnp.float32)
           + jnp.dot(agg, w3bt_ref[...], preferred_element_type=jnp.float32)
           + b3_ref[...])
    n = pre * jax.nn.sigmoid(pre)
    out_ref[...] = h + jnp.dot(n, w4t_ref[...],
                               preferred_element_type=jnp.float32) + b4_ref[...]


def _node_mlp(h, agg, w3at, w3bt, b3, w4t, b4):
    grid = (N // BN,)
    return pl.pallas_call(
        _node_body,
        grid=grid,
        in_specs=[
            pl.BlockSpec((BN, F), lambda i: (i, 0)),
            pl.BlockSpec((BN, F), lambda i: (i, 0)),
            pl.BlockSpec((F, F), lambda i: (0, 0)),
            pl.BlockSpec((F, F), lambda i: (0, 0)),
            pl.BlockSpec((1, F), lambda i: (0, 0)),
            pl.BlockSpec((F, F), lambda i: (0, 0)),
            pl.BlockSpec((1, F), lambda i: (0, 0)),
        ],
        out_specs=pl.BlockSpec((BN, F), lambda i: (i, 0)),
        out_shape=jax.ShapeDtypeStruct((N, F), jnp.float32),
    )(h, agg, w3at, w3bt, b3, w4t, b4)


def kernel(h, coord, edge_index, edge_attr, W1, b1, W2, b2, W3, b3, W4, b4):
    row = edge_index[0].astype(jnp.int32)
    col = edge_index[1].astype(jnp.int32)

    w1at = W1[:, :F].T
    w1bt = W1[:, F:2 * F].T
    w1r = W1[:, 2 * F].reshape(1, F)
    w1et = W1[:, 2 * F + 1:].T
    b1r = b1.reshape(1, F)
    b2r = b2.reshape(1, F)
    w3at = W3[:, :F].T
    w3bt = W3[:, F:].T
    b3r = b3.reshape(1, F)
    w4t = W4.T
    b4r = b4.reshape(1, F)

    c3 = coord.T

    a_tab, b_tab = _node_pre(h, coord, w1at, w1bt, b1r, w1r)
    g1, g2, cross = _sc_gather(a_tab, b_tab, c3, row, col)
    x3 = cross.reshape(E // BE, XR, F)
    y = _edge_mlp(g1, g2, x3, edge_attr, w1et, w2t=W2.T, b2=b2r,
                  w1rn2=-2.0 * w1r)
    zeros_nf = jnp.zeros((ZROWS, F), jnp.float32)
    partials = _sc_scatter(y, row, zeros_nf)
    agg = partials.reshape(NC * HALF, F)[:N]
    out = _node_mlp(h, agg, w3at, w3bt, b3r, w4t, b4r)
    return (out, coord)

# --- scband reference (transcript-rebuilt; emitter-appended) ---
"""Pipeline reference for scband-egnnconv-1829656068677 (READ-ONLY COPY).

The authoritative reference and input builder live on the scoring server;
editing this copy changes nothing except your own understanding.
"""

import jax, jax.numpy as jnp
import numpy as np

N = 10000
E = 320000
IN_NF = 128
HID = 128
OUT_NF = 128
EDGE_NF = 4


def setup_inputs(seed: int = 0) -> dict:
    key = jax.random.key(seed)
    ks = jax.random.split(key, 12)
    h = jax.random.normal(ks[0], (N, IN_NF), dtype=jnp.float32)
    coord = jax.random.normal(ks[1], (N, 3), dtype=jnp.float32)
    edge_index = jax.random.randint(ks[2], (2, E), 0, N, dtype=jnp.int64)
    edge_attr = jax.random.normal(ks[3], (E, EDGE_NF), dtype=jnp.float32)
    d_in_edge = IN_NF * 2 + 1 + EDGE_NF  # 261
    W1 = jax.random.normal(ks[4], (HID, d_in_edge), dtype=jnp.float32) / np.sqrt(d_in_edge)
    b1 = jnp.zeros((HID,), dtype=jnp.float32)
    W2 = jax.random.normal(ks[5], (HID, HID), dtype=jnp.float32) / np.sqrt(HID)
    b2 = jnp.zeros((HID,), dtype=jnp.float32)
    d_in_node = HID + IN_NF  # 256
    W3 = jax.random.normal(ks[6], (HID, d_in_node), dtype=jnp.float32) / np.sqrt(d_in_node)
    b3 = jnp.zeros((HID,), dtype=jnp.float32)
    W4 = jax.random.normal(ks[7], (OUT_NF, HID), dtype=jnp.float32) / np.sqrt(HID)
    b4 = jnp.zeros((OUT_NF,), dtype=jnp.float32)
    return {"h": h, "coord": coord, "edge_index": edge_index, "edge_attr": edge_attr,
            "W1": W1, "b1": b1, "W2": W2, "b2": b2, "W3": W3, "b3": b3, "W4": W4, "b4": b4}


def reference(h, coord, edge_index, edge_attr, W1, b1, W2, b2, W3, b3, W4, b4):
    row = edge_index[0]
    col = edge_index[1]
    # coord differences and squared radial distance
    coord_diff = coord[row] - coord[col]
    radial = jnp.sum(coord_diff ** 2, axis=1, keepdims=True)
    # edge MLP: Linear -> SiLU -> Linear -> SiLU
    edge_input = jnp.concatenate([h[row], h[col], radial, edge_attr], axis=1)
    m = jax.nn.silu(edge_input @ W1.T + b1)
    edge_message = jax.nn.silu(m @ W2.T + b2)
    # scatter-add aggregation onto source nodes (row), dim_size = N
    node_agg_message = jax.ops.segment_sum(edge_message, row, num_segments=h.shape[0])
    # node MLP: Linear -> SiLU -> Linear
    node_input = jnp.concatenate([h, node_agg_message], axis=1)
    n = jax.nn.silu(node_input @ W3.T + b3)
    h_out = n @ W4.T + b4
    # residual connection
    h_final = h + h_out
    return (h_final, coord)

if __name__ == "__main__":
    import jax
    _d = setup_inputs()
    print(jax.jit(kernel)(*tuple(_d.values())))

</pallas_src>

<mosaic_0001>
#map = affine_map<(d0, d1) -> (0, 0)>
#map1 = affine_map<(d0, d1) -> (0)>
module attributes {stable_mosaic.version = 14 : i64} {
  func.func @_gather_body(%arg0: i32, %arg1: i32, %arg2: memref<10000x128xf32, #tpu.memory_space<hbm>>, %arg3: memref<10000x128xf32, #tpu.memory_space<hbm>>, %arg4: memref<3x10000xf32, #tpu.memory_space<hbm>>, %arg5: memref<320000xi32, #tpu.memory_space<hbm>>, %arg6: memref<320000xi32, #tpu.memory_space<hbm>>, %arg7: memref<320000x128xf32, #tpu.memory_space<hbm>>, %arg8: memref<320000x128xf32, #tpu.memory_space<hbm>>, %arg9: memref<320000xf32, #tpu.memory_space<hbm>>, %arg10: memref<10000xi32, #tpu.memory_space<vmem>>, %arg11: memref<10000xi32, #tpu.memory_space<vmem>>, %arg12: memref<3x10000xf32, #tpu.memory_space<vmem>>, %arg13: memref<80x128xf32, #tpu.memory_space<vmem>>, %arg14: memref<80x128xf32, #tpu.memory_space<vmem>>, %arg15: memref<80x128xf32, #tpu.memory_space<vmem>>, %arg16: memref<80x128xf32, #tpu.memory_space<vmem>>, %arg17: memref<80xf32, #tpu.memory_space<vmem>>, %arg18: memref<80xf32, #tpu.memory_space<vmem>>, %arg19: memref<!tpu.dma_semaphore, #tpu.memory_space<semaphore_mem>>, %arg20: memref<!tpu.dma_semaphore, #tpu.memory_space<semaphore_mem>>, %arg21: memref<!tpu.dma_semaphore, #tpu.memory_space<semaphore_mem>>, %arg22: memref<!tpu.dma_semaphore, #tpu.memory_space<semaphore_mem>>) attributes {dimension_semantics = [#tpu.dimension_semantics<core_parallel>, #tpu.dimension_semantics<subcore_parallel>], iteration_bounds = array<i64: 2, 16>, scalar_prefetch = 0 : i64, scratch_operands = 13 : i64, tpu.core_type = #tpu.core_type<sc_vector_subcore>, window_params = [{transform_indices = #map}, {transform_indices = #map}, {transform_indices = #map}, {transform_indices = #map1}, {transform_indices = #map1}, {transform_indices = #map}, {transform_indices = #map}, {transform_indices = #map1}]} {
    %mul3A = arith.constant 2 : i32
    %mul3A_0 = arith.muli %arg1, %mul3A : i32
    %add3A = arith.addi %mul3A_0, %arg0 : i32
    %mul3A_1 = arith.constant 10000 : i32
    %mul3A_2 = arith.muli %add3A, %mul3A_1 : i32
    %multiple_of3A = tpu.assume_multiple %mul3A_2, 8 : i32
    "tpu.region"() ({
      %run_scoped3A = tpu.sem_alloc : memref<!tpu.dma_semaphore, #tpu.memory_space<semaphore_mem>>
      %dma_start3A_180 = tpu.memref_slice %arg5[%multiple_of3A] : memref<320000xi32, #tpu.memory_space<hbm>> -> memref<10000xi32, #tpu.memory_space<hbm>>
      %dma_start3A_181 = tpu.memref_slice %arg5[%multiple_of3A] : memref<320000xi32, #tpu.memory_space<hbm>> -> memref<10000xi32, #tpu.memory_space<hbm>>
      tpu.enqueue_dma source(%dma_start3A_181 : memref<10000xi32, #tpu.memory_space<hbm>>) target(%arg10 : memref<10000xi32, #tpu.memory_space<vmem>>) target_semaphore(%run_scoped3A : memref<!tpu.dma_semaphore, #tpu.memory_space<semaphore_mem>>)
      %dma_wait3A_182 = tpu.memref_slice %arg5[%multiple_of3A] : memref<320000xi32, #tpu.memory_space<hbm>> -> memref<10000xi32, #tpu.memory_space<hbm>>
      %dma_wait3A_183 = tpu.memref_slice %arg5[%multiple_of3A] : memref<320000xi32, #tpu.memory_space<hbm>> -> memref<10000xi32, #tpu.memory_space<hbm>>
      tpu.wait_dma2 semaphore(%run_scoped3A : memref<!tpu.dma_semaphore, #tpu.memory_space<semaphore_mem>>) src(%dma_wait3A_183 : memref<10000xi32, #tpu.memory_space<hbm>>) dst(%arg10 : memref<10000xi32, #tpu.memory_space<vmem>>)
      tpu.yield
    }) : () -> ()
    "tpu.region"() ({
      %run_scoped3A = tpu.sem_alloc : memref<!tpu.dma_semaphore, #tpu.memory_space<semaphore_mem>>
      %dma_start3A_180 = tpu.memref_slice %arg6[%multiple_of3A] : memref<320000xi32, #tpu.memory_space<hbm>> -> memref<10000xi32, #tpu.memory_space<hbm>>
      %dma_start3A_181 = tpu.memref_slice %arg6[%multiple_of3A] : memref<320000xi32, #tpu.memory_space<hbm>> -> memref<10000xi32, #tpu.memory_space<hbm>>
      tpu.enqueue_dma source(%dma_start3A_181 : memref<10000xi32, #tpu.memory_space<hbm>>) target(%arg11 : memref<10000xi32, #tpu.memory_space<vmem>>) target_semaphore(%run_scoped3A : memref<!tpu.dma_semaphore, #tpu.memory_space<semaphore_mem>>)
      %dma_wait3A_182 = tpu.memref_slice %arg6[%multiple_of3A] : memref<320000xi32, #tpu.memory_space<hbm>> -> memref<10000xi32, #tpu.memory_space<hbm>>
      %dma_wait3A_183 = tpu.memref_slice %arg6[%multiple_of3A] : memref<320000xi32, #tpu.memory_space<hbm>> -> memref<10000xi32, #tpu.memory_space<hbm>>
      tpu.wait_dma2 semaphore(%run_scoped3A : memref<!tpu.dma_semaphore, #tpu.memory_space<semaphore_mem>>) src(%dma_wait3A_183 : memref<10000xi32, #tpu.memory_space<hbm>>) dst(%arg11 : memref<10000xi32, #tpu.memory_space<vmem>>)
      tpu.yield
    }) : () -> ()
    "tpu.region"() ({
      %run_scoped3A = tpu.sem_alloc : memref<!tpu.dma_semaphore, #tpu.memory_space<semaphore_mem>>
      tpu.enqueue_dma source(%arg4 : memref<3x10000xf32, #tpu.memory_space<hbm>>) target(%arg12 : memref<3x10000xf32, #tpu.memory_space<vmem>>) target_semaphore(%run_scoped3A : memref<!tpu.dma_semaphore, #tpu.memory_space<semaphore_mem>>)
      tpu.wait_dma2 semaphore(%run_scoped3A : memref<!tpu.dma_semaphore, #tpu.memory_space<semaphore_mem>>) src(%arg4 : memref<3x10000xf32, #tpu.memory_space<hbm>>) dst(%arg12 : memref<3x10000xf32, #tpu.memory_space<vmem>>)
      tpu.yield
    }) : () -> ()
    %broadcast_in_dim3A = arith.constant 0 : i32
    %broadcast_in_dim3A_3 = vector.broadcast %broadcast_in_dim3A : i32 to vector<16xi32>
    %broadcast_in_dim3A_4 = arith.constant 1 : i32
    %broadcast_in_dim3A_5 = vector.broadcast %broadcast_in_dim3A_4 : i32 to vector<16xi32>
    %broadcast_in_dim3A_6 = arith.constant 2 : i32
    %broadcast_in_dim3A_7 = vector.broadcast %broadcast_in_dim3A_6 : i32 to vector<16xi32>
    %multiple_of3A_8 = arith.constant 0 : i32
    %multiple_of3A_9 = tpu.assume_multiple %multiple_of3A_8, 8 : i32
    %dma_start3A = tpu.memref_slice %arg10[%multiple_of3A_9] : memref<10000xi32, #tpu.memory_space<vmem>> -> memref<80xi32, #tpu.memory_space<vmem>>
    %dma_start3A_10 = arith.constant 0 : i32
    %dma_start3A_11 = arith.constant 0 : i32
    %dma_start3A_12 = tpu.memref_slice %arg2[%dma_start3A_10, %dma_start3A_11] : memref<10000x128xf32, #tpu.memory_space<hbm>> -> memref<10000x128xf32, #tpu.memory_space<hbm>>
    tpu.enqueue_indirect_dma source(%dma_start3A_12 : memref<10000x128xf32, #tpu.memory_space<hbm>>) target(%arg13 : memref<80x128xf32, #tpu.memory_space<vmem>>) offsets(%dma_start3A : memref<80xi32, #tpu.memory_space<vmem>>) semaphore(%arg19 : memref<!tpu.dma_semaphore, #tpu.memory_space<semaphore_mem>>)
    %dma_start3A_13 = tpu.memref_slice %arg11[%multiple_of3A_9] : memref<10000xi32, #tpu.memory_space<vmem>> -> memref<80xi32, #tpu.memory_space<vmem>>
    %dma_start3A_14 = arith.constant 0 : i32
    %dma_start3A_15 = arith.constant 0 : i32
    %dma_start3A_16 = tpu.memref_slice %arg3[%dma_start3A_14, %dma_start3A_15] : memref<10000x128xf32, #tpu.memory_space<hbm>> -> memref<10000x128xf32, #tpu.memory_space<hbm>>
    tpu.enqueue_indirect_dma source(%dma_start3A_16 : memref<10000x128xf32, #tpu.memory_space<hbm>>) target(%arg14 : memref<80x128xf32, #tpu.memory_space<vmem>>) offsets(%dma_start3A_13 : memref<80xi32, #tpu.memory_space<vmem>>) semaphore(%arg19 : memref<!tpu.dma_semaphore, #tpu.memory_space<semaphore_mem>>)
    %scan3A = arith.constant 0 : i32
    %scan3A_17 = arith.constant 0 : i32
    %scan3A_18 = arith.constant 62 : i32
    %scan3A_19 = arith.addi %scan3A_17, %scan3A_18 : i32
    %scan3A_20 = arith.constant 1 : i32
    scf.for %scan3A_180 = %scan3A_17 to %scan3A_19 step %scan3A_20  : i32 {
      %mul3A_181 = arith.constant 2 : i32
      %mul3A_182 = arith.muli %mul3A_181, %scan3A_180 : i32
      %gt3A = arith.constant 0 : i32
      %gt3A_183 = arith.cmpi sgt, %scan3A_180, %gt3A : i32
      %convert_element_type3A = arith.extui %gt3A_183 : i1 to i32
      %cond3A = arith.constant 0 : i32
      %cond3A_184 = arith.cmpi ne, %convert_element_type3A, %cond3A : i32
      scf.if %cond3A_184 {
        %dma_wait3A_488 = arith.constant 0 : i32
        %dma_wait3A_489 = arith.constant 0 : i32
        %dma_wait3A_490 = tpu.memref_slice %arg7[%dma_wait3A_488, %dma_wait3A_489] : memref<320000x128xf32, #tpu.memory_space<hbm>> -> memref<80x128xf32, #tpu.memory_space<hbm>>
        %dma_wait3A_491 = arith.constant 0 : i32
        %dma_wait3A_492 = arith.constant 0 : i32
        %dma_wait3A_493 = tpu.memref_slice %arg7[%dma_wait3A_491, %dma_wait3A_492] : memref<320000x128xf32, #tpu.memory_space<hbm>> -> memref<80x128xf32, #tpu.memory_space<hbm>>
        tpu.wait_dma2 semaphore(%arg22 : memref<!tpu.dma_semaphore, #tpu.memory_space<semaphore_mem>>) src(%arg15 : memref<80x128xf32, #tpu.memory_space<vmem>>) dst(%dma_wait3A_493 : memref<80x128xf32, #tpu.memory_space<hbm>>)
        %dma_wait3A_494 = arith.constant 0 : i32
        %dma_wait3A_495 = arith.constant 0 : i32
        %dma_wait3A_496 = tpu.memref_slice %arg8[%dma_wait3A_494, %dma_wait3A_495] : memref<320000x128xf32, #tpu.memory_space<hbm>> -> memref<80x128xf32, #tpu.memory_space<hbm>>
        %dma_wait3A_497 = arith.constant 0 : i32
        %dma_wait3A_498 = arith.constant 0 : i32
        %dma_wait3A_499 = tpu.memref_slice %arg8[%dma_wait3A_497, %dma_wait3A_498] : memref<320000x128xf32, #tpu.memory_space<hbm>> -> memref<80x128xf32, #tpu.memory_space<hbm>>
        tpu.wait_dma2 semaphore(%arg22 : memref<!tpu.dma_semaphore, #tpu.memory_space<semaphore_mem>>) src(%arg16 : memref<80x128xf32, #tpu.memory_space<vmem>>) dst(%dma_wait3A_499 : memref<80x128xf32, #tpu.memory_space<hbm>>)
        %dma_wait3A_500 = arith.constant 0 : i32
        %dma_wait3A_501 = tpu.memref_slice %arg9[%dma_wait3A_500] : memref<320000xf32, #tpu.memory_space<hbm>> -> memref<80xf32, #tpu.memory_space<hbm>>
        %dma_wait3A_502 = arith.constant 0 : i32
        %dma_wait3A_503 = tpu.memref_slice %arg9[%dma_wait3A_502] : memref<320000xf32, #tpu.memory_space<hbm>> -> memref<80xf32, #tpu.memory_space<hbm>>
        tpu.wait_dma2 semaphore(%arg22 : memref<!tpu.dma_semaphore, #tpu.memory_space<semaphore_mem>>) src(%arg18 : memref<80xf32, #tpu.memory_space<vmem>>) dst(%dma_wait3A_503 : memref<80xf32, #tpu.memory_space<hbm>>)
      } else {
      }
      %add3A_185 = arith.constant 1 : i32
      %add3A_186 = arith.addi %mul3A_182, %add3A_185 : i32
      %mul3A_187 = arith.constant 80 : i32
      %mul3A_188 = arith.muli %add3A_186, %mul3A_187 : i32
      %multiple_of3A_189 = tpu.assume_multiple %mul3A_188, 8 : i32
      %dma_start3A_190 = tpu.memref_slice %arg10[%multiple_of3A_189] : memref<10000xi32, #tpu.memory_space<vmem>> -> memref<80xi32, #tpu.memory_space<vmem>>
      %dma_start3A_191 = arith.constant 0 : i32
      %dma_start3A_192 = arith.constant 0 : i32
      %dma_start3A_193 = tpu.memref_slice %arg2[%dma_start3A_191, %dma_start3A_192] : memref<10000x128xf32, #tpu.memory_space<hbm>> -> memref<10000x128xf32, #tpu.memory_space<hbm>>
      tpu.enqueue_indirect_dma source(%dma_start3A_193 : memref<10000x128xf32, #tpu.memory_space<hbm>>) target(%arg15 : memref<80x128xf32, #tpu.memory_space<vmem>>) offsets(%dma_start3A_190 : memref<80xi32, #tpu.memory_space<vmem>>) semaphore(%arg20 : memref<!tpu.dma_semaphore, #tpu.memory_space<semaphore_mem>>)
      %dma_start3A_194 = tpu.memref_slice %arg11[%multiple_of3A_189] : memref<10000xi32, #tpu.memory_space<vmem>> -> memref<80xi32, #tpu.memory_space<vmem>>
      %dma_start3A_195 = arith.constant 0 : i32
      %dma_start3A_196 = arith.constant 0 : i32
      %dma_start3A_197 = tpu.memref_slice %arg3[%dma_start3A_195, %dma_start3A_196] : memref<10000x128xf32, #tpu.memory_space<hbm>> -> memref<10000x128xf32, #tpu.memory_space<hbm>>
      tpu.enqueue_indirect_dma source(%dma_start3A_197 : memref<10000x128xf32, #tpu.memory_space<hbm>>) target(%arg16 : memref<80x128xf32, #tpu.memory_space<vmem>>) offsets(%dma_start3A_194 : memref<80xi32, #tpu.memory_space<vmem>>) semaphore(%arg20 : memref<!tpu.dma_semaphore, #tpu.memory_space<semaphore_mem>>)
      %mul3A_198 = arith.constant 80 : i32
      %mul3A_199 = arith.muli %mul3A_182, %mul3A_198 : i32
      %multiple_of3A_200 = tpu.assume_multiple %mul3A_199, 8 : i32
      %add3A_201 = arith.constant 0 : i32
      %add3A_202 = arith.addi %multiple_of3A_200, %add3A_201 : i32
      %get3A_203 = arith.index_cast %add3A_202 : i32 to index
      %get3A_204 = tpu.vector_load %arg10[%get3A_203] {strides = array<i32>} : memref<10000xi32, #tpu.memory_space<vmem>>, vector<16xi32>,
      %add3A_205 = arith.constant 0 : i32
      %add3A_206 = arith.addi %multiple_of3A_200, %add3A_205 : i32
      %get3A_207 = arith.index_cast %add3A_206 : i32 to index
      %get3A_208 = tpu.vector_load %arg11[%get3A_207] {strides = array<i32>} : memref<10000xi32, #tpu.memory_space<vmem>>, vector<16xi32>,
      %gather3A_209 = tpu.vector_load_idx %arg12[%broadcast_in_dim3A_3, %get3A_204] : memref<3x10000xf32, #tpu.memory_space<vmem>>[vector<16xi32>, vector<16xi32>], vector<16xf32>,
      %gather3A_210 = tpu.vector_load_idx %arg12[%broadcast_in_dim3A_5, %get3A_204] : memref<3x10000xf32, #tpu.memory_space<vmem>>[vector<16xi32>, vector<16xi32>], vector<16xf32>,
      %gather3A_211 = tpu.vector_load_idx %arg12[%broadcast_in_dim3A_7, %get3A_204] : memref<3x10000xf32, #tpu.memory_space<vmem>>[vector<16xi32>, vector<16xi32>], vector<16xf32>,
      %gather3A_212 = tpu.vector_load_idx %arg12[%broadcast_in_dim3A_3, %get3A_208] : memref<3x10000xf32, #tpu.memory_space<vmem>>[vector<16xi32>, vector<16xi32>], vector<16xf32>,
      %gather3A_213 = tpu.vector_load_idx %arg12[%broadcast_in_dim3A_5, %get3A_208] : memref<3x10000xf32, #tpu.memory_space<vmem>>[vector<16xi32>, vector<16xi32>], vector<16xf32>,
      %gather3A_214 = tpu.vector_load_idx %arg12[%broadcast_in_dim3A_7, %get3A_208] : memref<3x10000xf32, #tpu.memory_space<vmem>>[vector<16xi32>, vector<16xi32>], vector<16xf32>,
      %mul3A_215 = arith.mulf %gather3A_209, %gather3A_212 : vector<16xf32>
      %mul3A_216 = arith.mulf %gather3A_210, %gather3A_213 : vector<16xf32>
      %add3A_217 = arith.addf %mul3A_215, %mul3A_216 : vector<16xf32>
      %mul3A_218 = arith.mulf %gather3A_211, %gather3A_214 : vector<16xf32>
      %add3A_219 = arith.addf %add3A_217, %mul3A_218 : vector<16xf32>
      %swap3A_220 = arith.constant 0 : index
      %swap3A_221 = tpu.vector_load %arg17[%swap3A_220] {strides = array<i32>} : memref<80xf32, #tpu.memory_space<vmem>>, vector<16xf32>,
      tpu.vector_store %arg17[%swap3A_220], %add3A_219 {strides = array<i32>} : memref<80xf32, #tpu.memory_space<vmem>>, vector<16xf32>,
      %add3A_222 = arith.constant 16 : i32
      %add3A_223 = arith.addi %multiple_of3A_200, %add3A_222 : i32
      %get3A_224 = arith.index_cast %add3A_223 : i32 to index
      %get3A_225 = tpu.vector_load %arg10[%get3A_224] {strides = array<i32>} : memref<10000xi32, #tpu.memory_space<vmem>>, vector<16xi32>,
      %add3A_226 = arith.constant 16 : i32
      %add3A_227 = arith.addi %multiple_of3A_200, %add3A_226 : i32
      %get3A_228 = arith.index_cast %add3A_227 : i32 to index
      %get3A_229 = tpu.vector_load %arg11[%get3A_228] {strides = array<i32>} : memref<10000xi32, #tpu.memory_space<vmem>>, vector<16xi32>,
      %gather3A_230 = tpu.vector_load_idx %arg12[%broadcast_in_dim3A_3, %get3A_225] : memref<3x10000xf32, #tpu.memory_space<vmem>>[vector<16xi32>, vector<16xi32>], vector<16xf32>,
      %gather3A_231 = tpu.vector_load_idx %arg12[%broadcast_in_dim3A_5, %get3A_225] : memref<3x10000xf32, #tpu.memory_space<vmem>>[vector<16xi32>, vector<16xi32>], vector<16xf32>,
      %gather3A_232 = tpu.vector_load_idx %arg12[%broadcast_in_dim3A_7, %get3A_225] : memref<3x10000xf32, #tpu.memory_space<vmem>>[vector<16xi32>, vector<16xi32>], vector<16xf32>,
      %gather3A_233 = tpu.vector_load_idx %arg12[%broadcast_in_dim3A_3, %get3A_229] : memref<3x10000xf32, #tpu.memory_space<vmem>>[vector<16xi32>, vector<16xi32>], vector<16xf32>,
      %gather3A_234 = tpu.vector_load_idx %arg12[%broadcast_in_dim3A_5, %get3A_229] : memref<3x10000xf32, #tpu.memory_space<vmem>>[vector<16xi32>, vector<16xi32>], vector<16xf32>,
      %gather3A_235 = tpu.vector_load_idx %arg12[%broadcast_in_dim3A_7, %get3A_229] : memref<3x10000xf32, #tpu.memory_space<vmem>>[vector<16xi32>, vector<16xi32>], vector<16xf32>,
      %mul3A_236 = arith.mulf %gather3A_230, %gather3A_233 : vector<16xf32>
      %mul3A_237 = arith.mulf %gather3A_231, %gather3A_234 : vector<16xf32>
      %add3A_238 = arith.addf %mul3A_236, %mul3A_237 : vector<16xf32>
      %mul3A_239 = arith.mulf %gather3A_232, %gather3A_235 : vector<16xf32>
      %add3A_240 = arith.addf %add3A_238, %mul3A_239 : vector<16xf32>
      %swap3A_241 = arith.constant 16 : index
      %swap3A_242 = tpu.vector_load %arg17[%swap3A_241] {strides = array<i32>} : memref<80xf32, #tpu.memory_space<vmem>>, vector<16xf32>,
      tpu.vector_store %arg17[%swap3A_241], %add3A_240 {strides = array<i32>} : memref<80xf32, #tpu.memory_space<vmem>>, vector<16xf32>,
      %add3A_243 = arith.constant 32 : i32
      %add3A_244 = arith.addi %multiple_of3A_200, %add3A_243 : i32
      %get3A_245 = arith.index_cast %add3A_244 : i32 to index
      %get3A_246 = tpu.vector_load %arg10[%get3A_245] {strides = array<i32>} : memref<10000xi32, #tpu.memory_space<vmem>>, vector<16xi32>,
      %add3A_247 = arith.constant 32 : i32
      %add3A_248 = arith.addi %multiple_of3A_200, %add3A_247 : i32
      %get3A_249 = arith.index_cast %add3A_248 : i32 to index
      %get3A_250 = tpu.vector_load %arg11[%get3A_249] {strides = array<i32>} : memref<10000xi32, #tpu.memory_space<vmem>>, vector<16xi32>,
      %gather3A_251 = tpu.vector_load_idx %arg12[%broadcast_in_dim3A_3, %get3A_246] : memref<3x10000xf32, #tpu.memory_space<vmem>>[vector<16xi32>, vector<16xi32>], vector<16xf32>,
      %gather3A_252 = tpu.vector_load_idx %arg12[%broadcast_in_dim3A_5, %get3A_246] : memref<3x10000xf32, #tpu.memory_space<vmem>>[vector<16xi32>, vector<16xi32>], vector<16xf32>,
      %gather3A_253 = tpu.vector_load_idx %arg12[%broadcast_in_dim3A_7, %get3A_246] : memref<3x10000xf32, #tpu.memory_space<vmem>>[vector<16xi32>, vector<16xi32>], vector<16xf32>,
      %gather3A_254 = tpu.vector_load_idx %arg12[%broadcast_in_dim3A_3, %get3A_250] : memref<3x10000xf32, #tpu.memory_space<vmem>>[vector<16xi32>, vector<16xi32>], vector<16xf32>,
      %gather3A_255 = tpu.vector_load_idx %arg12[%broadcast_in_dim3A_5, %get3A_250] : memref<3x10000xf32, #tpu.memory_space<vmem>>[vector<16xi32>, vector<16xi32>], vector<16xf32>,
      %gather3A_256 = tpu.vector_load_idx %arg12[%broadcast_in_dim3A_7, %get3A_250] : memref<3x10000xf32, #tpu.memory_space<vmem>>[vector<16xi32>, vector<16xi32>], vector<16xf32>,
      %mul3A_257 = arith.mulf %gather3A_251, %gather3A_254 : vector<16xf32>
      %mul3A_258 = arith.mulf %gather3A_252, %gather3A_255 : vector<16xf32>
      %add3A_259 = arith.addf %mul3A_257, %mul3A_258 : vector<16xf32>
      %mul3A_260 = arith.mulf %gather3A_253, %gather3A_256 : vector<16xf32>
      %add3A_261 = arith.addf %add3A_259, %mul3A_260 : vector<16xf32>
      %swap3A_262 = arith.constant 32 : index
      %swap3A_263 = tpu.vector_load %arg17[%swap3A_262] {strides = array<i32>} : memref<80xf32, #tpu.memory_space<vmem>>, vector<16xf32>,
      tpu.vector_store %arg17[%swap3A_262], %add3A_261 {strides = array<i32>} : memref<80xf32, #tpu.memory_space<vmem>>, vector<16xf32>,
      %add3A_264 = arith.constant 48 : i32
      %add3A_265 = arith.addi %multiple_of3A_200, %add3A_264 : i32
      %get3A_266 = arith.index_cast %add3A_265 : i32 to index
      %get3A_267 = tpu.vector_load %arg10[%get3A_266] {strides = array<i32>} : memref<10000xi32, #tpu.memory_space<vmem>>, vector<16xi32>,
      %add3A_268 = arith.constant 48 : i32
      %add3A_269 = arith.addi %multiple_of3A_200, %add3A_268 : i32
      %get3A_270 = arith.index_cast %add3A_269 : i32 to index
      %get3A_271 = tpu.vector_load %arg11[%get3A_270] {strides = array<i32>} : memref<10000xi32, #tpu.memory_space<vmem>>, vector<16xi32>,
      %gather3A_272 = tpu.vector_load_idx %arg12[%broadcast_in_dim3A_3, %get3A_267] : memref<3x10000xf32, #tpu.memory_space<vmem>>[vector<16xi32>, vector<16xi32>], vector<16xf32>,
      %gather3A_273 = tpu.vector_load_idx %arg12[%broadcast_in_dim3A_5, %get3A_267] : memref<3x10000xf32, #tpu.memory_space<vmem>>[vector<16xi32>, vector<16xi32>], vector<16xf32>,
      %gather3A_274 = tpu.vector_load_idx %arg12[%broadcast_in_dim3A_7, %get3A_267] : memref<3x10000xf32, #tpu.memory_space<vmem>>[vector<16xi32>, vector<16xi32>], vector<16xf32>,
      %gather3A_275 = tpu.vector_load_idx %arg12[%broadcast_in_dim3A_3, %get3A_271] : memref<3x10000xf32, #tpu.memory_space<vmem>>[vector<16xi32>, vector<16xi32>], vector<16xf32>,
      %gather3A_276 = tpu.vector_load_idx %arg12[%broadcast_in_dim3A_5, %get3A_271] : memref<3x10000xf32, #tpu.memory_space<vmem>>[vector<16xi32>, vector<16xi32>], vector<16xf32>,
      %gather3A_277 = tpu.vector_load_idx %arg12[%broadcast_in_dim3A_7, %get3A_271] : memref<3x10000xf32, #tpu.memory_space<vmem>>[vector<16xi32>, vector<16xi32>], vector<16xf32>,
      %mul3A_278 = arith.mulf %gather3A_272, %gather3A_275 : vector<16xf32>
      %mul3A_279 = arith.mulf %gather3A_273, %gather3A_276 : vector<16xf32>
      %add3A_280 = arith.addf %mul3A_278, %mul3A_279 : vector<16xf32>
      %mul3A_281 = arith.mulf %gather3A_274, %gather3A_277 : vector<16xf32>
      %add3A_282 = arith.addf %add3A_280, %mul3A_281 : vector<16xf32>
      %swap3A_283 = arith.constant 48 : index
      %swap3A_284 = tpu.vector_load %arg17[%swap3A_283] {strides = array<i32>} : memref<80xf32, #tpu.memory_space<vmem>>, vector<16xf32>,
      tpu.vector_store %arg17[%swap3A_283], %add3A_282 {strides = array<i32>} : memref<80xf32, #tpu.memory_space<vmem>>, vector<16xf32>,
      %add3A_285 = arith.constant 64 : i32
      %add3A_286 = arith.addi %multiple_of3A_200, %add3A_285 : i32
      %get3A_287 = arith.index_cast %add3A_286 : i32 to index
      %get3A_288 = tpu.vector_load %arg10[%get3A_287] {strides = array<i32>} : memref<10000xi32, #tpu.memory_space<vmem>>, vector<16xi32>,
      %add3A_289 = arith.constant 64 : i32
      %add3A_290 = arith.addi %multiple_of3A_200, %add3A_289 : i32
      %get3A_291 = arith.index_cast %add3A_290 : i32 to index
      %get3A_292 = tpu.vector_load %arg11[%get3A_291] {strides = array<i32>} : memref<10000xi32, #tpu.memory_space<vmem>>, vector<16xi32>,
      %gather3A_293 = tpu.vector_load_idx %arg12[%broadcast_in_dim3A_3, %get3A_288] : memref<3x10000xf32, #tpu.memory_space<vmem>>[vector<16xi32>, vector<16xi32>], vector<16xf32>,
      %gather3A_294 = tpu.vector_load_idx %arg12[%broadcast_in_dim3A_5, %get3A_288] : memref<3x10000xf32, #tpu.memory_space<vmem>>[vector<16xi32>, vector<16xi32>], vector<16xf32>,
      %gather3A_295 = tpu.vector_load_idx %arg12[%broadcast_in_dim3A_7, %get3A_288] : memref<3x10000xf32, #tpu.memory_space<vmem>>[vector<16xi32>, vector<16xi32>], vector<16xf32>,
      %gather3A_296 = tpu.vector_load_idx %arg12[%broadcast_in_dim3A_3, %get3A_292] : memref<3x10000xf32, #tpu.memory_space<vmem>>[vector<16xi32>, vector<16xi32>], vector<16xf32>,
      %gather3A_297 = tpu.vector_load_idx %arg12[%broadcast_in_dim3A_5, %get3A_292] : memref<3x10000xf32, #tpu.memory_space<vmem>>[vector<16xi32>, vector<16xi32>], vector<16xf32>,
      %gather3A_298 = tpu.vector_load_idx %arg12[%broadcast_in_dim3A_7, %get3A_292] : memref<3x10000xf32, #tpu.memory_space<vmem>>[vector<16xi32>, vector<16xi32>], vector<16xf32>,
      %mul3A_299 = arith.mulf %gather3A_293, %gather3A_296 : vector<16xf32>
      %mul3A_300 = arith.mulf %gather3A_294, %gather3A_297 : vector<16xf32>
      %add3A_301 = arith.addf %mul3A_299, %mul3A_300 : vector<16xf32>
      %mul3A_302 = arith.mulf %gather3A_295, %gather3A_298 : vector<16xf32>
      %add3A_303 = arith.addf %add3A_301, %mul3A_302 : vector<16xf32>
      %swap3A_304 = arith.constant 64 : index
      %swap3A_305 = tpu.vector_load %arg17[%swap3A_304] {strides = array<i32>} : memref<80xf32, #tpu.memory_space<vmem>>, vector<16xf32>,
      tpu.vector_store %arg17[%swap3A_304], %add3A_303 {strides = array<i32>} : memref<80xf32, #tpu.memory_space<vmem>>, vector<16xf32>,
      %dma_wait3A_306 = arith.constant 0 : i32
      %dma_wait3A_307 = tpu.memref_slice %arg10[%dma_wait3A_306] : memref<10000xi32, #tpu.memory_space<vmem>> -> memref<80xi32, #tpu.memory_space<vmem>>
      %dma_wait3A_308 = arith.constant 0 : i32
      %dma_wait3A_309 = arith.constant 0 : i32
      %dma_wait3A_310 = tpu.memref_slice %arg2[%dma_wait3A_308, %dma_wait3A_309] : memref<10000x128xf32, #tpu.memory_space<hbm>> -> memref<10000x128xf32, #tpu.memory_space<hbm>>
      tpu.wait_indirect_dma semaphore(%arg19 : memref<!tpu.dma_semaphore, #tpu.memory_space<semaphore_mem>>) src(%dma_wait3A_310 : memref<10000x128xf32, #tpu.memory_space<hbm>>) dst(%arg13 : memref<80x128xf32, #tpu.memory_space<vmem>>)
      %dma_wait3A_311 = arith.constant 0 : i32
      %dma_wait3A_312 = tpu.memref_slice %arg10[%dma_wait3A_311] : memref<10000xi32, #tpu.memory_space<vmem>> -> memref<80xi32, #tpu.memory_space<vmem>>
      %dma_wait3A_313 = arith.constant 0 : i32
      %dma_wait3A_314 = arith.constant 0 : i32
      %dma_wait3A_315 = tpu.memref_slice %arg3[%dma_wait3A_313, %dma_wait3A_314] : memref<10000x128xf32, #tpu.memory_space<hbm>> -> memref<10000x128xf32, #tpu.memory_space<hbm>>
      tpu.wait_indirect_dma semaphore(%arg19 : memref<!tpu.dma_semaphore, #tpu.memory_space<semaphore_mem>>) src(%dma_wait3A_315 : memref<10000x128xf32, #tpu.memory_space<hbm>>) dst(%arg14 : memref<80x128xf32, #tpu.memory_space<vmem>>)
      %mul3A_316 = arith.constant 80 : i32
      %mul3A_317 = arith.muli %mul3A_182, %mul3A_316 : i32
      %add3A_318 = arith.addi %multiple_of3A, %mul3A_317 : i32
      %multiple_of3A_319 = tpu.assume_multiple %add3A_318, 8 : i32
      %dma_start3A_320 = arith.constant 0 : i32
      %dma_start3A_321 = tpu.memref_slice %arg7[%multiple_of3A_319, %dma_start3A_320] : memref<320000x128xf32, #tpu.memory_space<hbm>> -> memref<80x128xf32, #tpu.memory_space<hbm>>
      %dma_start3A_322 = arith.constant 0 : i32
      %dma_start3A_323 = tpu.memref_slice %arg7[%multiple_of3A_319, %dma_start3A_322] : memref<320000x128xf32, #tpu.memory_space<hbm>> -> memref<80x128xf32, #tpu.memory_space<hbm>>
      tpu.enqueue_dma source(%arg13 : memref<80x128xf32, #tpu.memory_space<vmem>>) target(%dma_start3A_323 : memref<80x128xf32, #tpu.memory_space<hbm>>) target_semaphore(%arg21 : memref<!tpu.dma_semaphore, #tpu.memory_space<semaphore_mem>>)
      %dma_start3A_324 = arith.constant 0 : i32
      %dma_start3A_325 = tpu.memref_slice %arg8[%multiple_of3A_319, %dma_start3A_324] : memref<320000x128xf32, #tpu.memory_space<hbm>> -> memref<80x128xf32, #tpu.memory_space<hbm>>
      %dma_start3A_326 = arith.constant 0 : i32
      %dma_start3A_327 = tpu.memref_slice %arg8[%multiple_of3A_319, %dma_start3A_326] : memref<320000x128xf32, #tpu.memory_space<hbm>> -> memref<80x128xf32, #tpu.memory_space<hbm>>
      tpu.enqueue_dma source(%arg14 : memref<80x128xf32, #tpu.memory_space<vmem>>) target(%dma_start3A_327 : memref<80x128xf32, #tpu.memory_space<hbm>>) target_semaphore(%arg21 : memref<!tpu.dma_semaphore, #tpu.memory_space<semaphore_mem>>)
      %dma_start3A_328 = tpu.memref_slice %arg9[%multiple_of3A_319] : memref<320000xf32, #tpu.memory_space<hbm>> -> memref<80xf32, #tpu.memory_space<hbm>>
      %dma_start3A_329 = tpu.memref_slice %arg9[%multiple_of3A_319] : memref<320000xf32, #tpu.memory_space<hbm>> -> memref<80xf32, #tpu.memory_space<hbm>>
      tpu.enqueue_dma source(%arg17 : memref<80xf32, #tpu.memory_space<vmem>>) target(%dma_start3A_329 : memref<80xf32, #tpu.memory_space<hbm>>) target_semaphore(%arg21 : memref<!tpu.dma_semaphore, #tpu.memory_space<semaphore_mem>>)
      %dma_wait3A_330 = arith.constant 0 : i32
      %dma_wait3A_331 = arith.constant 0 : i32
      %dma_wait3A_332 = tpu.memref_slice %arg7[%dma_wait3A_330, %dma_wait3A_331] : memref<320000x128xf32, #tpu.memory_space<hbm>> -> memref<80x128xf32, #tpu.memory_space<hbm>>
      %dma_wait3A_333 = arith.constant 0 : i32
      %dma_wait3A_334 = arith.constant 0 : i32
      %dma_wait3A_335 = tpu.memref_slice %arg7[%dma_wait3A_333, %dma_wait3A_334] : memref<320000x128xf32, #tpu.memory_space<hbm>> -> memref<80x128xf32, #tpu.memory_space<hbm>>
      tpu.wait_dma2 semaphore(%arg21 : memref<!tpu.dma_semaphore, #tpu.memory_space<semaphore_mem>>) src(%arg13 : memref<80x128xf32, #tpu.memory_space<vmem>>) dst(%dma_wait3A_335 : memref<80x128xf32, #tpu.memory_space<hbm>>)
      %dma_wait3A_336 = arith.constant 0 : i32
      %dma_wait3A_337 = arith.constant 0 : i32
      %dma_wait3A_338 = tpu.memref_slice %arg8[%dma_wait3A_336, %dma_wait3A_337] : memref<320000x128xf32, #tpu.memory_space<hbm>> -> memref<80x128xf32, #tpu.memory_space<hbm>>
      %dma_wait3A_339 = arith.constant 0 : i32
      %dma_wait3A_340 = arith.constant 0 : i32
      %dma_wait3A_341 = tpu.memref_slice %arg8[%dma_wait3A_339, %dma_wait3A_340] : memref<320000x128xf32, #tpu.memory_space<hbm>> -> memref<80x128xf32, #tpu.memory_space<hbm>>
      tpu.wait_dma2 semaphore(%arg21 : memref<!tpu.dma_semaphore, #tpu.memory_space<semaphore_mem>>) src(%arg14 : memref<80x128xf32, #tpu.memory_space<vmem>>) dst(%dma_wait3A_341 : memref<80x128xf32, #tpu.memory_space<hbm>>)
      %dma_wait3A_342 = arith.constant 0 : i32
      %dma_wait3A_343 = tpu.memref_slice %arg9[%dma_wait3A_342] : memref<320000xf32, #tpu.memory_space<hbm>> -> memref<80xf32, #tpu.memory_space<hbm>>
      %dma_wait3A_344 = arith.constant 0 : i32
      %dma_wait3A_345 = tpu.memref_slice %arg9[%dma_wait3A_344] : memref<320000xf32, #tpu.memory_space<hbm>> -> memref<80xf32, #tpu.memory_space<hbm>>
      tpu.wait_dma2 semaphore(%arg21 : memref<!tpu.dma_semaphore, #tpu.memory_space<semaphore_mem>>) src(%arg17 : memref<80xf32, #tpu.memory_space<vmem>>) dst(%dma_wait3A_345 : memref<80xf32, #tpu.memory_space<hbm>>)
      %add3A_346 = arith.constant 2 : i32
      %add3A_347 = arith.addi %mul3A_182, %add3A_346 : i32
      %lt3A = arith.constant 125 : i32
      %lt3A_348 = arith.cmpi slt, %add3A_347, %lt3A : i32
      %convert_element_type3A_349 = arith.extui %lt3A_348 : i1 to i32
      %cond3A_350 = arith.constant 0 : i32
      %cond3A_351 = arith.cmpi ne, %convert_element_type3A_349, %cond3A_350 : i32
      scf.if %cond3A_351 {
        %add3A_488 = arith.constant 2 : i32
        %add3A_489 = arith.addi %mul3A_182, %add3A_488 : i32
        %mul3A_490 = arith.constant 80 : i32
        %mul3A_491 = arith.muli %add3A_489, %mul3A_490 : i32
        %multiple_of3A_492 = tpu.assume_multiple %mul3A_491, 8 : i32
        %dma_start3A_493 = tpu.memref_slice %arg10[%multiple_of3A_492] : memref<10000xi32, #tpu.memory_space<vmem>> -> memref<80xi32, #tpu.memory_space<vmem>>
        %dma_start3A_494 = arith.constant 0 : i32
        %dma_start3A_495 = arith.constant 0 : i32
        %dma_start3A_496 = tpu.memref_slice %arg2[%dma_start3A_494, %dma_start3A_495] : memref<10000x128xf32, #tpu.memory_space<hbm>> -> memref<10000x128xf32, #tpu.memory_space<hbm>>
        tpu.enqueue_indirect_dma source(%dma_start3A_496 : memref<10000x128xf32, #tpu.memory_space<hbm>>) target(%arg13 : memref<80x128xf32, #tpu.memory_space<vmem>>) offsets(%dma_start3A_493 : memref<80xi32, #tpu.memory_space<vmem>>) semaphore(%arg19 : memref<!tpu.dma_semaphore, #tpu.memory_space<semaphore_mem>>)
        %dma_start3A_497 = tpu.memref_slice %arg11[%multiple_of3A_492] : memref<10000xi32, #tpu.memory_space<vmem>> -> memref<80xi32, #tpu.memory_space<vmem>>
        %dma_start3A_498 = arith.constant 0 : i32
        %dma_start3A_499 = arith.constant 0 : i32
        %dma_start3A_500 = tpu.memref_slice %arg3[%dma_start3A_498, %dma_start3A_499] : memref<10000x128xf32, #tpu.memory_space<hbm>> -> memref<10000x128xf32, #tpu.memory_space<hbm>>
        tpu.enqueue_indirect_dma source(%dma_start3A_500 : memref<10000x128xf32, #tpu.memory_space<hbm>>) target(%arg14 : memref<80x128xf32, #tpu.memory_space<vmem>>) offsets(%dma_start3A_497 : memref<80xi32, #tpu.memory_space<vmem>>) semaphore(%arg19 : memref<!tpu.dma_semaphore, #tpu.memory_space<semaphore_mem>>)
      } else {
      }
      %add3A_352 = arith.constant 1 : i32
      %add3A_353 = arith.addi %mul3A_182, %add3A_352 : i32
      %mul3A_354 = arith.constant 80 : i32
      %mul3A_355 = arith.muli %add3A_353, %mul3A_354 : i32
      %multiple_of3A_356 = tpu.assume_multiple %mul3A_355, 8 : i32
      %add3A_357 = arith.constant 0 : i32
      %add3A_358 = arith.addi %multiple_of3A_356, %add3A_357 : i32
      %get3A_359 = arith.index_cast %add3A_358 : i32 to index
      %get3A_360 = tpu.vector_load %arg10[%get3A_359] {strides = array<i32>} : memref<10000xi32, #tpu.memory_space<vmem>>, vector<16xi32>,
      %add3A_361 = arith.constant 0 : i32
      %add3A_362 = arith.addi %multiple_of3A_356, %add3A_361 : i32
      %get3A_363 = arith.index_cast %add3A_362 : i32 to index
      %get3A_364 = tpu.vector_load %arg11[%get3A_363] {strides = array<i32>} : memref<10000xi32, #tpu.memory_space<vmem>>, vector<16xi32>,
      %gather3A_365 = tpu.vector_load_idx %arg12[%broadcast_in_dim3A_3, %get3A_360] : memref<3x10000xf32, #tpu.memory_space<vmem>>[vector<16xi32>, vector<16xi32>], vector<16xf32>,
      %gather3A_366 = tpu.vector_load_idx %arg12[%broadcast_in_dim3A_5, %get3A_360] : memref<3x10000xf32, #tpu.memory_space<vmem>>[vector<16xi32>, vector<16xi32>], vector<16xf32>,
      %gather3A_367 = tpu.vector_load_idx %arg12[%broadcast_in_dim3A_7, %get3A_360] : memref<3x10000xf32, #tpu.memory_space<vmem>>[vector<16xi32>, vector<16xi32>], vector<16xf32>,
      %gather3A_368 = tpu.vector_load_idx %arg12[%broadcast_in_dim3A_3, %get3A_364] : memref<3x10000xf32, #tpu.memory_space<vmem>>[vector<16xi32>, vector<16xi32>], vector<16xf32>,
      %gather3A_369 = tpu.vector_load_idx %arg12[%broadcast_in_dim3A_5, %get3A_364] : memref<3x10000xf32, #tpu.memory_space<vmem>>[vector<16xi32>, vector<16xi32>], vector<16xf32>,
      %gather3A_370 = tpu.vector_load_idx %arg12[%broadcast_in_dim3A_7, %get3A_364] : memref<3x10000xf32, #tpu.memory_space<vmem>>[vector<16xi32>, vector<16xi32>], vector<16xf32>,
      %mul3A_371 = arith.mulf %gather3A_365, %gather3A_368 : vector<16xf32>
      %mul3A_372 = arith.mulf %gather3A_366, %gather3A_369 : vector<16xf32>
      %add3A_373 = arith.addf %mul3A_371, %mul3A_372 : vector<16xf32>
      %mul3A_374 = arith.mulf %gather3A_367, %gather3A_370 : vector<16xf32>
      %add3A_375 = arith.addf %add3A_373, %mul3A_374 : vector<16xf32>
      %swap3A_376 = arith.constant 0 : index
      %swap3A_377 = tpu.vector_load %arg18[%swap3A_376] {strides = array<i32>} : memref<80xf32, #tpu.memory_space<vmem>>, vector<16xf32>,
      tpu.vector_store %arg18[%swap3A_376], %add3A_375 {strides = array<i32>} : memref<80xf32, #tpu.memory_space<vmem>>, vector<16xf32>,
      %add3A_378 = arith.constant 16 : i32
      %add3A_379 = arith.addi %multiple_of3A_356, %add3A_378 : i32
      %get3A_380 = arith.index_cast %add3A_379 : i32 to index
      %get3A_381 = tpu.vector_load %arg10[%get3A_380] {strides = array<i32>} : memref<10000xi32, #tpu.memory_space<vmem>>, vector<16xi32>,
      %add3A_382 = arith.constant 16 : i32
      %add3A_383 = arith.addi %multiple_of3A_356, %add3A_382 : i32
      %get3A_384 = arith.index_cast %add3A_383 : i32 to index
      %get3A_385 = tpu.vector_load %arg11[%get3A_384] {strides = array<i32>} : memref<10000xi32, #tpu.memory_space<vmem>>, vector<16xi32>,
      %gather3A_386 = tpu.vector_load_idx %arg12[%broadcast_in_dim3A_3, %get3A_381] : memref<3x10000xf32, #tpu.memory_space<vmem>>[vector<16xi32>, vector<16xi32>], vector<16xf32>,
      %gather3A_387 = tpu.vector_load_idx %arg12[%broadcast_in_dim3A_5, %get3A_381] : memref<3x10000xf32, #tpu.memory_space<vmem>>[vector<16xi32>, vector<16xi32>], vector<16xf32>,
      %gather3A_388 = tpu.vector_load_idx %arg12[%broadcast_in_dim3A_7, %get3A_381] : memref<3x10000xf32, #tpu.memory_space<vmem>>[vector<16xi32>, vector<16xi32>], vector<16xf32>,
      %gather3A_389 = tpu.vector_load_idx %arg12[%broadcast_in_dim3A_3, %get3A_385] : memref<3x10000xf32, #tpu.memory_space<vmem>>[vector<16xi32>, vector<16xi32>], vector<16xf32>,
      %gather3A_390 = tpu.vector_load_idx %arg12[%broadcast_in_dim3A_5, %get3A_385] : memref<3x10000xf32, #tpu.memory_space<vmem>>[vector<16xi32>, vector<16xi32>], vector<16xf32>,
      %gather3A_391 = tpu.vector_load_idx %arg12[%broadcast_in_dim3A_7, %get3A_385] : memref<3x10000xf32, #tpu.memory_space<vmem>>[vector<16xi32>, vector<16xi32>], vector<16xf32>,
      %mul3A_392 = arith.mulf %gather3A_386, %gather3A_389 : vector<16xf32>
      %mul3A_393 = arith.mulf %gather3A_387, %gather3A_390 : vector<16xf32>
      %add3A_394 = arith.addf %mul3A_392, %mul3A_393 : vector<16xf32>
      %mul3A_395 = arith.mulf %gather3A_388, %gather3A_391 : vector<16xf32>
      %add3A_396 = arith.addf %add3A_394, %mul3A_395 : vector<16xf32>
      %swap3A_397 = arith.constant 16 : index
      %swap3A_398 = tpu.vector_load %arg18[%swap3A_397] {strides = array<i32>} : memref<80xf32, #tpu.memory_space<vmem>>, vector<16xf32>,
      tpu.vector_store %arg18[%swap3A_397], %add3A_396 {strides = array<i32>} : memref<80xf32, #tpu.memory_space<vmem>>, vector<16xf32>,
      %add3A_399 = arith.constant 32 : i32
      %add3A_400 = arith.addi %multiple_of3A_356, %add3A_399 : i32
      %get3A_401 = arith.index_cast %add3A_400 : i32 to index
      %get3A_402 = tpu.vector_load %arg10[%get3A_401] {strides = array<i32>} : memref<10000xi32, #tpu.memory_space<vmem>>, vector<16xi32>,
      %add3A_403 = arith.constant 32 : i32
      %add3A_404 = arith.addi %multiple_of3A_356, %add3A_403 : i32
      %get3A_405 = arith.index_cast %add3A_404 : i32 to index
      %get3A_406 = tpu.vector_load %arg11[%get3A_405] {strides = array<i32>} : memref<10000xi32, #tpu.memory_space<vmem>>, vector<16xi32>,
      %gather3A_407 = tpu.vector_load_idx %arg12[%broadcast_in_dim3A_3, %get3A_402] : memref<3x10000xf32, #tpu.memory_space<vmem>>[vector<16xi32>, vector<16xi32>], vector<16xf32>,
      %gather3A_408 = tpu.vector_load_idx %arg12[%broadcast_in_dim3A_5, %get3A_402] : memref<3x10000xf32, #tpu.memory_space<vmem>>[vector<16xi32>, vector<16xi32>], vector<16xf32>,
      %gather3A_409 = tpu.vector_load_idx %arg12[%broadcast_in_dim3A_7, %get3A_402] : memref<3x10000xf32, #tpu.memory_space<vmem>>[vector<16xi32>, vector<16xi32>], vector<16xf32>,
      %gather3A_410 = tpu.vector_load_idx %arg12[%broadcast_in_dim3A_3, %get3A_406] : memref<3x10000xf32, #tpu.memory_space<vmem>>[vector<16xi32>, vector<16xi32>], vector<16xf32>,
      %gather3A_411 = tpu.vector_load_idx %arg12[%broadcast_in_dim3A_5, %get3A_406] : memref<3x10000xf32, #tpu.memory_space<vmem>>[vector<16xi32>, vector<16xi32>], vector<16xf32>,
      %gather3A_412 = tpu.vector_load_idx %arg12[%broadcast_in_dim3A_7, %get3A_406] : memref<3x10000xf32, #tpu.memory_space<vmem>>[vector<16xi32>, vector<16xi32>], vector<16xf32>,
      %mul3A_413 = arith.mulf %gather3A_407, %gather3A_410 : vector<16xf32>
      %mul3A_414 = arith.mulf %gather3A_408, %gather3A_411 : vector<16xf32>
      %add3A_415 = arith.addf %mul3A_413, %mul3A_414 : vector<16xf32>
      %mul3A_416 = arith.mulf %gather3A_409, %gather3A_412 : vector<16xf32>
      %add3A_417 = arith.addf %add3A_415, %mul3A_416 : vector<16xf32>
      %swap3A_418 = arith.constant 32 : index
      %swap3A_419 = tpu.vector_load %arg18[%swap3A_418] {strides = array<i32>} : memref<80xf32, #tpu.memory_space<vmem>>, vector<16xf32>,
      tpu.vector_store %arg18[%swap3A_418], %add3A_417 {strides = array<i32>} : memref<80xf32, #tpu.memory_space<vmem>>, vector<16xf32>,
      %add3A_420 = arith.constant 48 : i32
      %add3A_421 = arith.addi %multiple_of3A_356, %add3A_420 : i32
      %get3A_422 = arith.index_cast %add3A_421 : i32 to index
      %get3A_423 = tpu.vector_load %arg10[%get3A_422] {strides = array<i32>} : memref<10000xi32, #tpu.memory_space<vmem>>, vector<16xi32>,
      %add3A_424 = arith.constant 48 : i32
      %add3A_425 = arith.addi %multiple_of3A_356, %add3A_424 : i32
      %get3A_426 = arith.index_cast %add3A_425 : i32 to index
      %get3A_427 = tpu.vector_load %arg11[%get3A_426] {strides = array<i32>} : memref<10000xi32, #tpu.memory_space<vmem>>, vector<16xi32>,
      %gather3A_428 = tpu.vector_load_idx %arg12[%broadcast_in_dim3A_3, %get3A_423] : memref<3x10000xf32, #tpu.memory_space<vmem>>[vector<16xi32>, vector<16xi32>], vector<16xf32>,
      %gather3A_429 = tpu.vector_load_idx %arg12[%broadcast_in_dim3A_5, %get3A_423] : memref<3x10000xf32, #tpu.memory_space<vmem>>[vector<16xi32>, vector<16xi32>], vector<16xf32>,
      %gather3A_430 = tpu.vector_load_idx %arg12[%broadcast_in_dim3A_7, %get3A_423] : memref<3x10000xf32, #tpu.memory_space<vmem>>[vector<16xi32>, vector<16xi32>], vector<16xf32>,
      %gather3A_431 = tpu.vector_load_idx %arg12[%broadcast_in_dim3A_3, %get3A_427] : memref<3x10000xf32, #tpu.memory_space<vmem>>[vector<16xi32>, vector<16xi32>], vector<16xf32>,
      %gather3A_432 = tpu.vector_load_idx %arg12[%broadcast_in_dim3A_5, %get3A_427] : memref<3x10000xf32, #tpu.memory_space<vmem>>[vector<16xi32>, vector<16xi32>], vector<16xf32>,
      %gather3A_433 = tpu.vector_load_idx %arg12[%broadcast_in_dim3A_7, %get3A_427] : memref<3x10000xf32, #tpu.memory_space<vmem>>[vector<16xi32>, vector<16xi32>], vector<16xf32>,
      %mul3A_434 = arith.mulf %gather3A_428, %gather3A_431 : vector<16xf32>
      %mul3A_435 = arith.mulf %gather3A_429, %gather3A_432 : vector<16xf32>
      %add3A_436 = arith.addf %mul3A_434, %mul3A_435 : vector<16xf32>
      %mul3A_437 = arith.mulf %gather3A_430, %gather3A_433 : vector<16xf32>
      %add3A_438 = arith.addf %add3A_436, %mul3A_437 : vector<16xf32>
      %swap3A_439 = arith.constant 48 : index
      %swap3A_440 = tpu.vector_load %arg18[%swap3A_439] {strides = array<i32>} : memref<80xf32, #tpu.memory_space<vmem>>, vector<16xf32>,
      tpu.vector_store %arg18[%swap3A_439], %add3A_438 {strides = array<i32>} : memref<80xf32, #tpu.memory_space<vmem>>, vector<16xf32>,
      %add3A_441 = arith.constant 64 : i32
      %add3A_442 = arith.addi %multiple_of3A_356, %add3A_441 : i32
      %get3A_443 = arith.index_cast %add3A_442 : i32 to index
      %get3A_444 = tpu.vector_load %arg10[%get3A_443] {strides = array<i32>} : memref<10000xi32, #tpu.memory_space<vmem>>, vector<16xi32>,
      %add3A_445 = arith.constant 64 : i32
      %add3A_446 = arith.addi %multiple_of3A_356, %add3A_445 : i32
      %get3A_447 = arith.index_cast %add3A_446 : i32 to index
      %get3A_448 = tpu.vector_load %arg11[%get3A_447] {strides = array<i32>} : memref<10000xi32, #tpu.memory_space<vmem>>, vector<16xi32>,
      %gather3A_449 = tpu.vector_load_idx %arg12[%broadcast_in_dim3A_3, %get3A_444] : memref<3x10000xf32, #tpu.memory_space<vmem>>[vector<16xi32>, vector<16xi32>], vector<16xf32>,
      %gather3A_450 = tpu.vector_load_idx %arg12[%broadcast_in_dim3A_5, %get3A_444] : memref<3x10000xf32, #tpu.memory_space<vmem>>[vector<16xi32>, vector<16xi32>], vector<16xf32>,
      %gather3A_451 = tpu.vector_load_idx %arg12[%broadcast_in_dim3A_7, %get3A_444] : memref<3x10000xf32, #tpu.memory_space<vmem>>[vector<16xi32>, vector<16xi32>], vector<16xf32>,
      %gather3A_452 = tpu.vector_load_idx %arg12[%broadcast_in_dim3A_3, %get3A_448] : memref<3x10000xf32, #tpu.memory_space<vmem>>[vector<16xi32>, vector<16xi32>], vector<16xf32>,
      %gather3A_453 = tpu.vector_load_idx %arg12[%broadcast_in_dim3A_5, %get3A_448] : memref<3x10000xf32, #tpu.memory_space<vmem>>[vector<16xi32>, vector<16xi32>], vector<16xf32>,
      %gather3A_454 = tpu.vector_load_idx %arg12[%broadcast_in_dim3A_7, %get3A_448] : memref<3x10000xf32, #tpu.memory_space<vmem>>[vector<16xi32>, vector<16xi32>], vector<16xf32>,
      %mul3A_455 = arith.mulf %gather3A_449, %gather3A_452 : vector<16xf32>
      %mul3A_456 = arith.mulf %gather3A_450, %gather3A_453 : vector<16xf32>
      %add3A_457 = arith.addf %mul3A_455, %mul3A_456 : vector<16xf32>
      %mul3A_458 = arith.mulf %gather3A_451, %gather3A_454 : vector<16xf32>
      %add3A_459 = arith.addf %add3A_457, %mul3A_458 : vector<16xf32>
      %swap3A_460 = arith.constant 64 : index
      %swap3A_461 = tpu.vector_load %arg18[%swap3A_460] {strides = array<i32>} : memref<80xf32, #tpu.memory_space<vmem>>, vector<16xf32>,
      tpu.vector_store %arg18[%swap3A_460], %add3A_459 {strides = array<i32>} : memref<80xf32, #tpu.memory_space<vmem>>, vector<16xf32>,
      %dma_wait3A_462 = arith.constant 0 : i32
      %dma_wait3A_463 = tpu.memref_slice %arg10[%dma_wait3A_462] : memref<10000xi32, #tpu.memory_space<vmem>> -> memref<80xi32, #tpu.memory_space<vmem>>
      %dma_wait3A_464 = arith.constant 0 : i32
      %dma_wait3A_465 = arith.constant 0 : i32
      %dma_wait3A_466 = tpu.memref_slice %arg2[%dma_wait3A_464, %dma_wait3A_465] : memref<10000x128xf32, #tpu.memory_space<hbm>> -> memref<10000x128xf32, #tpu.memory_space<hbm>>
      tpu.wait_indirect_dma semaphore(%arg20 : memref<!tpu.dma_semaphore, #tpu.memory_space<semaphore_mem>>) src(%dma_wait3A_466 : memref<10000x128xf32, #tpu.memory_space<hbm>>) dst(%arg15 : memref<80x128xf32, #tpu.memory_space<vmem>>)
      %dma_wait3A_467 = arith.constant 0 : i32
      %dma_wait3A_468 = tpu.memref_slice %arg10[%dma_wait3A_467] : memref<10000xi32, #tpu.memory_space<vmem>> -> memref<80xi32, #tpu.memory_space<vmem>>
      %dma_wait3A_469 = arith.constant 0 : i32
      %dma_wait3A_470 = arith.constant 0 : i32
      %dma_wait3A_471 = tpu.memref_slice %arg3[%dma_wait3A_469, %dma_wait3A_470] : memref<10000x128xf32, #tpu.memory_space<hbm>> -> memref<10000x128xf32, #tpu.memory_space<hbm>>
      tpu.wait_indirect_dma semaphore(%arg20 : memref<!tpu.dma_semaphore, #tpu.memory_space<semaphore_mem>>) src(%dma_wait3A_471 : memref<10000x128xf32, #tpu.memory_space<hbm>>) dst(%arg16 : memref<80x128xf32, #tpu.memory_space<vmem>>)
      %add3A_472 = arith.constant 1 : i32
      %add3A_473 = arith.addi %mul3A_182, %add3A_472 : i32
      %mul3A_474 = arith.constant 80 : i32
      %mul3A_475 = arith.muli %add3A_473, %mul3A_474 : i32
      %add3A_476 = arith.addi %multiple_of3A, %mul3A_475 : i32
      %multiple_of3A_477 = tpu.assume_multiple %add3A_476, 8 : i32
      %dma_start3A_478 = arith.constant 0 : i32
      %dma_start3A_479 = tpu.memref_slice %arg7[%multiple_of3A_477, %dma_start3A_478] : memref<320000x128xf32, #tpu.memory_space<hbm>> -> memref<80x128xf32, #tpu.memory_space<hbm>>
      %dma_start3A_480 = arith.constant 0 : i32
      %dma_start3A_481 = tpu.memref_slice %arg7[%multiple_of3A_477, %dma_start3A_480] : memref<320000x128xf32, #tpu.memory_space<hbm>> -> memref<80x128xf32, #tpu.memory_space<hbm>>
      tpu.enqueue_dma source(%arg15 : memref<80x128xf32, #tpu.memory_space<vmem>>) target(%dma_start3A_481 : memref<80x128xf32, #tpu.memory_space<hbm>>) target_semaphore(%arg22 : memref<!tpu.dma_semaphore, #tpu.memory_space<semaphore_mem>>)
      %dma_start3A_482 = arith.constant 0 : i32
      %dma_start3A_483 = tpu.memref_slice %arg8[%multiple_of3A_477, %dma_start3A_482] : memref<320000x128xf32, #tpu.memory_space<hbm>> -> memref<80x128xf32, #tpu.memory_space<hbm>>
      %dma_start3A_484 = arith.constant 0 : i32
      %dma_start3A_485 = tpu.memref_slice %arg8[%multiple_of3A_477, %dma_start3A_484] : memref<320000x128xf32, #tpu.memory_space<hbm>> -> memref<80x128xf32, #tpu.memory_space<hbm>>
      tpu.enqueue_dma source(%arg16 : memref<80x128xf32, #tpu.memory_space<vmem>>) target(%dma_start3A_485 : memref<80x128xf32, #tpu.memory_space<hbm>>) target_semaphore(%arg22 : memref<!tpu.dma_semaphore, #tpu.memory_space<semaphore_mem>>)
      %dma_start3A_486 = tpu.memref_slice %arg9[%multiple_of3A_477] : memref<320000xf32, #tpu.memory_space<hbm>> -> memref<80xf32, #tpu.memory_space<hbm>>
      %dma_start3A_487 = tpu.memref_slice %arg9[%multiple_of3A_477] : memref<320000xf32, #tpu.memory_space<hbm>> -> memref<80xf32, #tpu.memory_space<hbm>>
      tpu.enqueue_dma source(%arg18 : memref<80xf32, #tpu.memory_space<vmem>>) target(%dma_start3A_487 : memref<80xf32, #tpu.memory_space<hbm>>) target_semaphore(%arg22 : memref<!tpu.dma_semaphore, #tpu.memory_space<semaphore_mem>>)
    }
    %scan3A_21 = arith.constant 62 : i32
    %dma_wait3A = arith.constant 0 : i32
    %dma_wait3A_22 = arith.constant 0 : i32
    %dma_wait3A_23 = tpu.memref_slice %arg7[%dma_wait3A, %dma_wait3A_22] : memref<320000x128xf32, #tpu.memory_space<hbm>> -> memref<80x128xf32, #tpu.memory_space<hbm>>
    %dma_wait3A_24 = arith.constant 0 : i32
    %dma_wait3A_25 = arith.constant 0 : i32
    %dma_wait3A_26 = tpu.memref_slice %arg7[%dma_wait3A_24, %dma_wait3A_25] : memref<320000x128xf32, #tpu.memory_space<hbm>> -> memref<80x128xf32, #tpu.memory_space<hbm>>
    tpu.wait_dma2 semaphore(%arg22 : memref<!tpu.dma_semaphore, #tpu.memory_space<semaphore_mem>>) src(%arg15 : memref<80x128xf32, #tpu.memory_space<vmem>>) dst(%dma_wait3A_26 : memref<80x128xf32, #tpu.memory_space<hbm>>)
    %dma_wait3A_27 = arith.constant 0 : i32
    %dma_wait3A_28 = arith.constant 0 : i32
    %dma_wait3A_29 = tpu.memref_slice %arg8[%dma_wait3A_27, %dma_wait3A_28] : memref<320000x128xf32, #tpu.memory_space<hbm>> -> memref<80x128xf32, #tpu.memory_space<hbm>>
    %dma_wait3A_30 = arith.constant 0 : i32
    %dma_wait3A_31 = arith.constant 0 : i32
    %dma_wait3A_32 = tpu.memref_slice %arg8[%dma_wait3A_30, %dma_wait3A_31] : memref<320000x128xf32, #tpu.memory_space<hbm>> -> memref<80x128xf32, #tpu.memory_space<hbm>>
    tpu.wait_dma2 semaphore(%arg22 : memref<!tpu.dma_semaphore, #tpu.memory_space<semaphore_mem>>) src(%arg16 : memref<80x128xf32, #tpu.memory_space<vmem>>) dst(%dma_wait3A_32 : memref<80x128xf32, #tpu.memory_space<hbm>>)
    %dma_wait3A_33 = arith.constant 0 : i32
    %dma_wait3A_34 = tpu.memref_slice %arg9[%dma_wait3A_33] : memref<320000xf32, #tpu.memory_space<hbm>> -> memref<80xf32, #tpu.memory_space<hbm>>
    %dma_wait3A_35 = arith.constant 0 : i32
    %dma_wait3A_36 = tpu.memref_slice %arg9[%dma_wait3A_35] : memref<320000xf32, #tpu.memory_space<hbm>> -> memref<80xf32, #tpu.memory_space<hbm>>
    tpu.wait_dma2 semaphore(%arg22 : memref<!tpu.dma_semaphore, #tpu.memory_space<semaphore_mem>>) src(%arg18 : memref<80xf32, #tpu.memory_space<vmem>>) dst(%dma_wait3A_36 : memref<80xf32, #tpu.memory_space<hbm>>)
    %multiple_of3A_37 = arith.constant 9920 : i32
    %multiple_of3A_38 = tpu.assume_multiple %multiple_of3A_37, 8 : i32
    %add3A_39 = arith.constant 0 : i32
    %add3A_40 = arith.addi %multiple_of3A_38, %add3A_39 : i32
    %get3A = arith.index_cast %add3A_40 : i32 to index
    %get3A_41 = tpu.vector_load %arg10[%get3A] {strides = array<i32>} : memref<10000xi32, #tpu.memory_space<vmem>>, vector<16xi32>,
    %add3A_42 = arith.constant 0 : i32
    %add3A_43 = arith.addi %multiple_of3A_38, %add3A_42 : i32
    %get3A_44 = arith.index_cast %add3A_43 : i32 to index
    %get3A_45 = tpu.vector_load %arg11[%get3A_44] {strides = array<i32>} : memref<10000xi32, #tpu.memory_space<vmem>>, vector<16xi32>,
    %gather3A = tpu.vector_load_idx %arg12[%broadcast_in_dim3A_3, %get3A_41] : memref<3x10000xf32, #tpu.memory_space<vmem>>[vector<16xi32>, vector<16xi32>], vector<16xf32>,
    %gather3A_46 = tpu.vector_load_idx %arg12[%broadcast_in_dim3A_5, %get3A_41] : memref<3x10000xf32, #tpu.memory_space<vmem>>[vector<16xi32>, vector<16xi32>], vector<16xf32>,
    %gather3A_47 = tpu.vector_load_idx %arg12[%broadcast_in_dim3A_7, %get3A_41] : memref<3x10000xf32, #tpu.memory_space<vmem>>[vector<16xi32>, vector<16xi32>], vector<16xf32>,
    %gather3A_48 = tpu.vector_load_idx %arg12[%broadcast_in_dim3A_3, %get3A_45] : memref<3x10000xf32, #tpu.memory_space<vmem>>[vector<16xi32>, vector<16xi32>], vector<16xf32>,
    %gather3A_49 = tpu.vector_load_idx %arg12[%broadcast_in_dim3A_5, %get3A_45] : memref<3x10000xf32, #tpu.memory_space<vmem>>[vector<16xi32>, vector<16xi32>], vector<16xf32>,
    %gather3A_50 = tpu.vector_load_idx %arg12[%broadcast_in_dim3A_7, %get3A_45] : memref<3x10000xf32, #tpu.memory_space<vmem>>[vector<16xi32>, vector<16xi32>], vector<16xf32>,
    %mul3A_51 = arith.mulf %gather3A, %gather3A_48 : vector<16xf32>
    %mul3A_52 = arith.mulf %gather3A_46, %gather3A_49 : vector<16xf32>
    %add3A_53 = arith.addf %mul3A_51, %mul3A_52 : vector<16xf32>
    %mul3A_54 = arith.mulf %gather3A_47, %gather3A_50 : vector<16xf32>
    %add3A_55 = arith.addf %add3A_53, %mul3A_54 : vector<16xf32>
    %swap3A = arith.constant 0 : index
    %swap3A_56 = tpu.vector_load %arg17[%swap3A] {strides = array<i32>} : memref<80xf32, #tpu.memory_space<vmem>>, vector<16xf32>,
    tpu.vector_store %arg17[%swap3A], %add3A_55 {strides = array<i32>} : memref<80xf32, #tpu.memory_space<vmem>>, vector<16xf32>,
    %add3A_57 = arith.constant 16 : i32
    %add3A_58 = arith.addi %multiple_of3A_38, %add3A_57 : i32
    %get3A_59 = arith.index_cast %add3A_58 : i32 to index
    %get3A_60 = tpu.vector_load %arg10[%get3A_59] {strides = array<i32>} : memref<10000xi32, #tpu.memory_space<vmem>>, vector<16xi32>,
    %add3A_61 = arith.constant 16 : i32
    %add3A_62 = arith.addi %multiple_of3A_38, %add3A_61 : i32
    %get3A_63 = arith.index_cast %add3A_62 : i32 to index
    %get3A_64 = tpu.vector_load %arg11[%get3A_63] {strides = array<i32>} : memref<10000xi32, #tpu.memory_space<vmem>>, vector<16xi32>,
    %gather3A_65 = tpu.vector_load_idx %arg12[%broadcast_in_dim3A_3, %get3A_60] : memref<3x10000xf32, #tpu.memory_space<vmem>>[vector<16xi32>, vector<16xi32>], vector<16xf32>,
    %gather3A_66 = tpu.vector_load_idx %arg12[%broadcast_in_dim3A_5, %get3A_60] : memref<3x10000xf32, #tpu.memory_space<vmem>>[vector<16xi32>, vector<16xi32>], vector<16xf32>,
    %gather3A_67 = tpu.vector_load_idx %arg12[%broadcast_in_dim3A_7, %get3A_60] : memref<3x10000xf32, #tpu.memory_space<vmem>>[vector<16xi32>, vector<16xi32>], vector<16xf32>,
    %gather3A_68 = tpu.vector_load_idx %arg12[%broadcast_in_dim3A_3, %get3A_64] : memref<3x10000xf32, #tpu.memory_space<vmem>>[vector<16xi32>, vector<16xi32>], vector<16xf32>,
    %gather3A_69 = tpu.vector_load_idx %arg12[%broadcast_in_dim3A_5, %get3A_64] : memref<3x10000xf32, #tpu.memory_space<vmem>>[vector<16xi32>, vector<16xi32>], vector<16xf32>,
    %gather3A_70 = tpu.vector_load_idx %arg12[%broadcast_in_dim3A_7, %get3A_64] : memref<3x10000xf32, #tpu.memory_space<vmem>>[vector<16xi32>, vector<16xi32>], vector<16xf32>,
    %mul3A_71 = arith.mulf %gather3A_65, %gather3A_68 : vector<16xf32>
    %mul3A_72 = arith.mulf %gather3A_66, %gather3A_69 : vector<16xf32>
    %add3A_73 = arith.addf %mul3A_71, %mul3A_72 : vector<16xf32>
    %mul3A_74 = arith.mulf %gather3A_67, %gather3A_70 : vector<16xf32>
    %add3A_75 = arith.addf %add3A_73, %mul3A_74 : vector<16xf32>
    %swap3A_76 = arith.constant 16 : index
    %swap3A_77 = tpu.vector_load %arg17[%swap3A_76] {strides = array<i32>} : memref<80xf32, #tpu.memory_space<vmem>>, vector<16xf32>,
    tpu.vector_store %arg17[%swap3A_76], %add3A_75 {strides = array<i32>} : memref<80xf32, #tpu.memory_space<vmem>>, vector<16xf32>,
    %add3A_78 = arith.constant 32 : i32
    %add3A_79 = arith.addi %multiple_of3A_38, %add3A_78 : i32
    %get3A_80 = arith.index_cast %add3A_79 : i32 to index
    %get3A_81 = tpu.vector_load %arg10[%get3A_80] {strides = array<i32>} : memref<10000xi32, #tpu.memory_space<vmem>>, vector<16xi32>,
    %add3A_82 = arith.constant 32 : i32
    %add3A_83 = arith.addi %multiple_of3A_38, %add3A_82 : i32
    %get3A_84 = arith.index_cast %add3A_83 : i32 to index
    %get3A_85 = tpu.vector_load %arg11[%get3A_84] {strides = array<i32>} : memref<10000xi32, #tpu.memory_space<vmem>>, vector<16xi32>,
    %gather3A_86 = tpu.vector_load_idx %arg12[%broadcast_in_dim3A_3, %get3A_81] : memref<3x10000xf32, #tpu.memory_space<vmem>>[vector<16xi32>, vector<16xi32>], vector<16xf32>,
    %gather3A_87 = tpu.vector_load_idx %arg12[%broadcast_in_dim3A_5, %get3A_81] : memref<3x10000xf32, #tpu.memory_space<vmem>>[vector<16xi32>, vector<16xi32>], vector<16xf32>,
    %gather3A_88 = tpu.vector_load_idx %arg12[%broadcast_in_dim3A_7, %get3A_81] : memref<3x10000xf32, #tpu.memory_space<vmem>>[vector<16xi32>, vector<16xi32>], vector<16xf32>,
    %gather3A_89 = tpu.vector_load_idx %arg12[%broadcast_in_dim3A_3, %get3A_85] : memref<3x10000xf32, #tpu.memory_space<vmem>>[vector<16xi32>, vector<16xi32>], vector<16xf32>,
    %gather3A_90 = tpu.vector_load_idx %arg12[%broadcast_in_dim3A_5, %get3A_85] : memref<3x10000xf32, #tpu.memory_space<vmem>>[vector<16xi32>, vector<16xi32>], vector<16xf32>,
    %gather3A_91 = tpu.vector_load_idx %arg12[%broadcast_in_dim3A_7, %get3A_85] : memref<3x10000xf32, #tpu.memory_space<vmem>>[vector<16xi32>, vector<16xi32>], vector<16xf32>,
    %mul3A_92 = arith.mulf %gather3A_86, %gather3A_89 : vector<16xf32>
    %mul3A_93 = arith.mulf %gather3A_87, %gather3A_90 : vector<16xf32>
    %add3A_94 = arith.addf %mul3A_92, %mul3A_93 : vector<16xf32>
    %mul3A_95 = arith.mulf %gather3A_88, %gather3A_91 : vector<16xf32>
    %add3A_96 = arith.addf %add3A_94, %mul3A_95 : vector<16xf32>
    %swap3A_97 = arith.constant 32 : index
    %swap3A_98 = tpu.vector_load %arg17[%swap3A_97] {strides = array<i32>} : memref<80xf32, #tpu.memory_space<vmem>>, vector<16xf32>,
    tpu.vector_store %arg17[%swap3A_97], %add3A_96 {strides = array<i32>} : memref<80xf32, #tpu.memory_space<vmem>>, vector<16xf32>,
    %add3A_99 = arith.constant 48 : i32
    %add3A_100 = arith.addi %multiple_of3A_38, %add3A_99 : i32
    %get3A_101 = arith.index_cast %add3A_100 : i32 to index
    %get3A_102 = tpu.vector_load %arg10[%get3A_101] {strides = array<i32>} : memref<10000xi32, #tpu.memory_space<vmem>>, vector<16xi32>,
    %add3A_103 = arith.constant 48 : i32
    %add3A_104 = arith.addi %multiple_of3A_38, %add3A_103 : i32
    %get3A_105 = arith.index_cast %add3A_104 : i32 to index
    %get3A_106 = tpu.vector_load %arg11[%get3A_105] {strides = array<i32>} : memref<10000xi32, #tpu.memory_space<vmem>>, vector<16xi32>,
    %gather3A_107 = tpu.vector_load_idx %arg12[%broadcast_in_dim3A_3, %get3A_102] : memref<3x10000xf32, #tpu.memory_space<vmem>>[vector<16xi32>, vector<16xi32>], vector<16xf32>,
    %gather3A_108 = tpu.vector_load_idx %arg12[%broadcast_in_dim3A_5, %get3A_102] : memref<3x10000xf32, #tpu.memory_space<vmem>>[vector<16xi32>, vector<16xi32>], vector<16xf32>,
    %gather3A_109 = tpu.vector_load_idx %arg12[%broadcast_in_dim3A_7, %get3A_102] : memref<3x10000xf32, #tpu.memory_space<vmem>>[vector<16xi32>, vector<16xi32>], vector<16xf32>,
    %gather3A_110 = tpu.vector_load_idx %arg12[%broadcast_in_dim3A_3, %get3A_106] : memref<3x10000xf32, #tpu.memory_space<vmem>>[vector<16xi32>, vector<16xi32>], vector<16xf32>,
    %gather3A_111 = tpu.vector_load_idx %arg12[%broadcast_in_dim3A_5, %get3A_106] : memref<3x10000xf32, #tpu.memory_space<vmem>>[vector<16xi32>, vector<16xi32>], vector<16xf32>,
    %gather3A_112 = tpu.vector_load_idx %arg12[%broadcast_in_dim3A_7, %get3A_106] : memref<3x10000xf32, #tpu.memory_space<vmem>>[vector<16xi32>, vector<16xi32>], vector<16xf32>,
    %mul3A_113 = arith.mulf %gather3A_107, %gather3A_110 : vector<16xf32>
    %mul3A_114 = arith.mulf %gather3A_108, %gather3A_111 : vector<16xf32>
    %add3A_115 = arith.addf %mul3A_113, %mul3A_114 : vector<16xf32>
    %mul3A_116 = arith.mulf %gather3A_109, %gather3A_112 : vector<16xf32>
    %add3A_117 = arith.addf %add3A_115, %mul3A_116 : vector<16xf32>
    %swap3A_118 = arith.constant 48 : index
    %swap3A_119 = tpu.vector_load %arg17[%swap3A_118] {strides = array<i32>} : memref<80xf32, #tpu.memory_space<vmem>>, vector<16xf32>,
    tpu.vector_store %arg17[%swap3A_118], %add3A_117 {strides = array<i32>} : memref<80xf32, #tpu.memory_space<vmem>>, vector<16xf32>,
    %add3A_120 = arith.constant 64 : i32
    %add3A_121 = arith.addi %multiple_of3A_38, %add3A_120 : i32
    %get3A_122 = arith.index_cast %add3A_121 : i32 to index
    %get3A_123 = tpu.vector_load %arg10[%get3A_122] {strides = array<i32>} : memref<10000xi32, #tpu.memory_space<vmem>>, vector<16xi32>,
    %add3A_124 = arith.constant 64 : i32
    %add3A_125 = arith.addi %multiple_of3A_38, %add3A_124 : i32
    %get3A_126 = arith.index_cast %add3A_125 : i32 to index
    %get3A_127 = tpu.vector_load %arg11[%get3A_126] {strides = array<i32>} : memref<10000xi32, #tpu.memory_space<vmem>>, vector<16xi32>,
    %gather3A_128 = tpu.vector_load_idx %arg12[%broadcast_in_dim3A_3, %get3A_123] : memref<3x10000xf32, #tpu.memory_space<vmem>>[vector<16xi32>, vector<16xi32>], vector<16xf32>,
    %gather3A_129 = tpu.vector_load_idx %arg12[%broadcast_in_dim3A_5, %get3A_123] : memref<3x10000xf32, #tpu.memory_space<vmem>>[vector<16xi32>, vector<16xi32>], vector<16xf32>,
    %gather3A_130 = tpu.vector_load_idx %arg12[%broadcast_in_dim3A_7, %get3A_123] : memref<3x10000xf32, #tpu.memory_space<vmem>>[vector<16xi32>, vector<16xi32>], vector<16xf32>,
    %gather3A_131 = tpu.vector_load_idx %arg12[%broadcast_in_dim3A_3, %get3A_127] : memref<3x10000xf32, #tpu.memory_space<vmem>>[vector<16xi32>, vector<16xi32>], vector<16xf32>,
    %gather3A_132 = tpu.vector_load_idx %arg12[%broadcast_in_dim3A_5, %get3A_127] : memref<3x10000xf32, #tpu.memory_space<vmem>>[vector<16xi32>, vector<16xi32>], vector<16xf32>,
    %gather3A_133 = tpu.vector_load_idx %arg12[%broadcast_in_dim3A_7, %get3A_127] : memref<3x10000xf32, #tpu.memory_space<vmem>>[vector<16xi32>, vector<16xi32>], vector<16xf32>,
    %mul3A_134 = arith.mulf %gather3A_128, %gather3A_131 : vector<16xf32>
    %mul3A_135 = arith.mulf %gather3A_129, %gather3A_132 : vector<16xf32>
    %add3A_136 = arith.addf %mul3A_134, %mul3A_135 : vector<16xf32>
    %mul3A_137 = arith.mulf %gather3A_130, %gather3A_133 : vector<16xf32>
    %add3A_138 = arith.addf %add3A_136, %mul3A_137 : vector<16xf32>
    %swap3A_139 = arith.constant 64 : index
    %swap3A_140 = tpu.vector_load %arg17[%swap3A_139] {strides = array<i32>} : memref<80xf32, #tpu.memory_space<vmem>>, vector<16xf32>,
    tpu.vector_store %arg17[%swap3A_139], %add3A_138 {strides = array<i32>} : memref<80xf32, #tpu.memory_space<vmem>>, vector<16xf32>,
    %dma_wait3A_141 = arith.constant 0 : i32
    %dma_wait3A_142 = tpu.memref_slice %arg10[%dma_wait3A_141] : memref<10000xi32, #tpu.memory_space<vmem>> -> memref<80xi32, #tpu.memory_space<vmem>>
    %dma_wait3A_143 = arith.constant 0 : i32
    %dma_wait3A_144 = arith.constant 0 : i32
    %dma_wait3A_145 = tpu.memref_slice %arg2[%dma_wait3A_143, %dma_wait3A_144] : memref<10000x128xf32, #tpu.memory_space<hbm>> -> memref<10000x128xf32, #tpu.memory_space<hbm>>
    tpu.wait_indirect_dma semaphore(%arg19 : memref<!tpu.dma_semaphore, #tpu.memory_space<semaphore_mem>>) src(%dma_wait3A_145 : memref<10000x128xf32, #tpu.memory_space<hbm>>) dst(%arg13 : memref<80x128xf32, #tpu.memory_space<vmem>>)
    %dma_wait3A_146 = arith.constant 0 : i32
    %dma_wait3A_147 = tpu.memref_slice %arg10[%dma_wait3A_146] : memref<10000xi32, #tpu.memory_space<vmem>> -> memref<80xi32, #tpu.memory_space<vmem>>
    %dma_wait3A_148 = arith.constant 0 : i32
    %dma_wait3A_149 = arith.constant 0 : i32
    %dma_wait3A_150 = tpu.memref_slice %arg3[%dma_wait3A_148, %dma_wait3A_149] : memref<10000x128xf32, #tpu.memory_space<hbm>> -> memref<10000x128xf32, #tpu.memory_space<hbm>>
    tpu.wait_indirect_dma semaphore(%arg19 : memref<!tpu.dma_semaphore, #tpu.memory_space<semaphore_mem>>) src(%dma_wait3A_150 : memref<10000x128xf32, #tpu.memory_space<hbm>>) dst(%arg14 : memref<80x128xf32, #tpu.memory_space<vmem>>)
    %add3A_151 = arith.constant 9920 : i32
    %add3A_152 = arith.addi %multiple_of3A, %add3A_151 : i32
    %multiple_of3A_153 = tpu.assume_multiple %add3A_152, 8 : i32
    %dma_start3A_154 = arith.constant 0 : i32
    %dma_start3A_155 = tpu.memref_slice %arg7[%multiple_of3A_153, %dma_start3A_154] : memref<320000x128xf32, #tpu.memory_space<hbm>> -> memref<80x128xf32, #tpu.memory_space<hbm>>
    %dma_start3A_156 = arith.constant 0 : i32
    %dma_start3A_157 = tpu.memref_slice %arg7[%multiple_of3A_153, %dma_start3A_156] : memref<320000x128xf32, #tpu.memory_space<hbm>> -> memref<80x128xf32, #tpu.memory_space<hbm>>
    tpu.enqueue_dma source(%arg13 : memref<80x128xf32, #tpu.memory_space<vmem>>) target(%dma_start3A_157 : memref<80x128xf32, #tpu.memory_space<hbm>>) target_semaphore(%arg21 : memref<!tpu.dma_semaphore, #tpu.memory_space<semaphore_mem>>)
    %dma_start3A_158 = arith.constant 0 : i32
    %dma_start3A_159 = tpu.memref_slice %arg8[%multiple_of3A_153, %dma_start3A_158] : memref<320000x128xf32, #tpu.memory_space<hbm>> -> memref<80x128xf32, #tpu.memory_space<hbm>>
    %dma_start3A_160 = arith.constant 0 : i32
    %dma_start3A_161 = tpu.memref_slice %arg8[%multiple_of3A_153, %dma_start3A_160] : memref<320000x128xf32, #tpu.memory_space<hbm>> -> memref<80x128xf32, #tpu.memory_space<hbm>>
    tpu.enqueue_dma source(%arg14 : memref<80x128xf32, #tpu.memory_space<vmem>>) target(%dma_start3A_161 : memref<80x128xf32, #tpu.memory_space<hbm>>) target_semaphore(%arg21 : memref<!tpu.dma_semaphore, #tpu.memory_space<semaphore_mem>>)
    %dma_start3A_162 = tpu.memref_slice %arg9[%multiple_of3A_153] : memref<320000xf32, #tpu.memory_space<hbm>> -> memref<80xf32, #tpu.memory_space<hbm>>
    %dma_start3A_163 = tpu.memref_slice %arg9[%multiple_of3A_153] : memref<320000xf32, #tpu.memory_space<hbm>> -> memref<80xf32, #tpu.memory_space<hbm>>
    tpu.enqueue_dma source(%arg17 : memref<80xf32, #tpu.memory_space<vmem>>) target(%dma_start3A_163 : memref<80xf32, #tpu.memory_space<hbm>>) target_semaphore(%arg21 : memref<!tpu.dma_semaphore, #tpu.memory_space<semaphore_mem>>)
    %dma_wait3A_164 = arith.constant 0 : i32
    %dma_wait3A_165 = arith.constant 0 : i32
    %dma_wait3A_166 = tpu.memref_slice %arg7[%dma_wait3A_164, %dma_wait3A_165] : memref<320000x128xf32, #tpu.memory_space<hbm>> -> memref<80x128xf32, #tpu.memory_space<hbm>>
    %dma_wait3A_167 = arith.constant 0 : i32
    %dma_wait3A_168 = arith.constant 0 : i32
    %dma_wait3A_169 = tpu.memref_slice %arg7[%dma_wait3A_167, %dma_wait3A_168] : memref<320000x128xf32, #tpu.memory_space<hbm>> -> memref<80x128xf32, #tpu.memory_space<hbm>>
    tpu.wait_dma2 semaphore(%arg21 : memref<!tpu.dma_semaphore, #tpu.memory_space<semaphore_mem>>) src(%arg13 : memref<80x128xf32, #tpu.memory_space<vmem>>) dst(%dma_wait3A_169 : memref<80x128xf32, #tpu.memory_space<hbm>>)
    %dma_wait3A_170 = arith.constant 0 : i32
    %dma_wait3A_171 = arith.constant 0 : i32
    %dma_wait3A_172 = tpu.memref_slice %arg8[%dma_wait3A_170, %dma_wait3A_171] : memref<320000x128xf32, #tpu.memory_space<hbm>> -> memref<80x128xf32, #tpu.memory_space<hbm>>
    %dma_wait3A_173 = arith.constant 0 : i32
    %dma_wait3A_174 = arith.constant 0 : i32
    %dma_wait3A_175 = tpu.memref_slice %arg8[%dma_wait3A_173, %dma_wait3A_174] : memref<320000x128xf32, #tpu.memory_space<hbm>> -> memref<80x128xf32, #tpu.memory_space<hbm>>
    tpu.wait_dma2 semaphore(%arg21 : memref<!tpu.dma_semaphore, #tpu.memory_space<semaphore_mem>>) src(%arg14 : memref<80x128xf32, #tpu.memory_space<vmem>>) dst(%dma_wait3A_175 : memref<80x128xf32, #tpu.memory_space<hbm>>)
    %dma_wait3A_176 = arith.constant 0 : i32
    %dma_wait3A_177 = tpu.memref_slice %arg9[%dma_wait3A_176] : memref<320000xf32, #tpu.memory_space<hbm>> -> memref<80xf32, #tpu.memory_space<hbm>>
    %dma_wait3A_178 = arith.constant 0 : i32
    %dma_wait3A_179 = tpu.memref_slice %arg9[%dma_wait3A_178] : memref<320000xf32, #tpu.memory_space<hbm>> -> memref<80xf32, #tpu.memory_space<hbm>>
    tpu.wait_dma2 semaphore(%arg21 : memref<!tpu.dma_semaphore, #tpu.memory_space<semaphore_mem>>) src(%arg17 : memref<80xf32, #tpu.memory_space<vmem>>) dst(%dma_wait3A_179 : memref<80xf32, #tpu.memory_space<hbm>>)
    return
  }
}

#map = affine_map<(d0, d1) -> (0, 0)>
#map1 = affine_map<(d0, d1) -> (0)>
#map2 = affine_map<(d0, d1) -> (0, 0, 0)>
module attributes {stable_mosaic.version = 14 : i64} {
  func.func @_scatter_body(%arg0: i32, %arg1: i32, %arg2: memref<320000x128xf32, #tpu.memory_space<hbm>>, %arg3: memref<320000xi32, #tpu.memory_space<hbm>>, %arg4: memref<328x128xf32, #tpu.memory_space<hbm>>, %arg5: memref<2x5120x128xf32, #tpu.memory_space<hbm>>, %arg6: memref<80xi32, #tpu.memory_space<vmem>>, %arg7: memref<80xi32, #tpu.memory_space<vmem>>, %arg8: memref<80xi32, #tpu.memory_space<vmem>>, %arg9: memref<80xi32, #tpu.memory_space<vmem>>, %arg10: memref<80x128xf32, #tpu.memory_space<vmem>>, %arg11: memref<80x128xf32, #tpu.memory_space<vmem>>, %arg12: memref<320x128xf32, #tpu.memory_space<vmem>>, %arg13: memref<5248x128xf32, #tpu.memory_space<vmem_shared>>, %arg14: memref<!tpu.dma_semaphore, #tpu.memory_space<semaphore_mem>>, %arg15: memref<!tpu.dma_semaphore, #tpu.memory_space<semaphore_mem>>, %arg16: memref<!tpu.dma_semaphore, #tpu.memory_space<semaphore_mem>>, %arg17: memref<!tpu.dma_semaphore, #tpu.memory_space<semaphore_mem>>) attributes {dimension_semantics = [#tpu.dimension_semantics<core_parallel>, #tpu.dimension_semantics<subcore_parallel>], iteration_bounds = array<i64: 2, 16>, scalar_prefetch = 0 : i64, scratch_operands = 12 : i64, tpu.core_type = #tpu.core_type<sc_vector_subcore>, window_params = [{transform_indices = #map}, {transform_indices = #map1}, {transform_indices = #map}, {transform_indices = #map2}]} {
    %mul3A = arith.constant 20000 : i32
    %mul3A_0 = arith.muli %arg1, %mul3A : i32
    %multiple_of3A = tpu.assume_multiple %mul3A_0, 8 : i32
    %mul3A_1 = arith.constant 5120 : i32
    %mul3A_2 = arith.muli %arg0, %mul3A_1 : i32
    %mul3A_3 = arith.constant 328 : i32
    %mul3A_4 = arith.muli %arg1, %mul3A_3 : i32
    "tpu.region"() ({
      %run_scoped3A = tpu.sem_alloc : memref<!tpu.dma_semaphore, #tpu.memory_space<semaphore_mem>>
      %dma_start3A_24 = arith.constant 0 : i32
      %dma_start3A_25 = tpu.memref_slice %arg13[%mul3A_4, %dma_start3A_24] : memref<5248x128xf32, #tpu.memory_space<vmem_shared>> -> memref<328x128xf32, #tpu.memory_space<vmem_shared>>
      tpu.enqueue_dma source(%arg4 : memref<328x128xf32, #tpu.memory_space<hbm>>) target(%dma_start3A_25 : memref<328x128xf32, #tpu.memory_space<vmem_shared>>) target_semaphore(%run_scoped3A : memref<!tpu.dma_semaphore, #tpu.memory_space<semaphore_mem>>)
      %dma_wait3A_26 = arith.constant 0 : i32
      %dma_wait3A_27 = tpu.memref_slice %arg13[%mul3A_4, %dma_wait3A_26] : memref<5248x128xf32, #tpu.memory_space<vmem_shared>> -> memref<328x128xf32, #tpu.memory_space<vmem_shared>>
      tpu.wait_dma2 semaphore(%run_scoped3A : memref<!tpu.dma_semaphore, #tpu.memory_space<semaphore_mem>>) src(%arg4 : memref<328x128xf32, #tpu.memory_space<hbm>>) dst(%dma_wait3A_27 : memref<328x128xf32, #tpu.memory_space<vmem_shared>>)
      tpu.yield
    }) : () -> ()
    %add3A = arith.constant 0 : i32
    %add3A_5 = arith.addi %multiple_of3A, %add3A : i32
    %multiple_of3A_6 = tpu.assume_multiple %add3A_5, 8 : i32
    %dma_start3A = tpu.memref_slice %arg3[%multiple_of3A_6] : memref<320000xi32, #tpu.memory_space<hbm>> -> memref<80xi32, #tpu.memory_space<hbm>>
    %dma_start3A_7 = tpu.memref_slice %arg3[%multiple_of3A_6] : memref<320000xi32, #tpu.memory_space<hbm>> -> memref<80xi32, #tpu.memory_space<hbm>>
    tpu.enqueue_dma source(%dma_start3A_7 : memref<80xi32, #tpu.memory_space<hbm>>) target(%arg6 : memref<80xi32, #tpu.memory_space<vmem>>) target_semaphore(%arg14 : memref<!tpu.dma_semaphore, #tpu.memory_space<semaphore_mem>>)
    %dma_start3A_8 = arith.constant 0 : i32
    %dma_start3A_9 = tpu.memref_slice %arg2[%multiple_of3A_6, %dma_start3A_8] : memref<320000x128xf32, #tpu.memory_space<hbm>> -> memref<80x128xf32, #tpu.memory_space<hbm>>
    %dma_start3A_10 = arith.constant 0 : i32
    %dma_start3A_11 = tpu.memref_slice %arg2[%multiple_of3A_6, %dma_start3A_10] : memref<320000x128xf32, #tpu.memory_space<hbm>> -> memref<80x128xf32, #tpu.memory_space<hbm>>
    tpu.enqueue_dma source(%dma_start3A_11 : memref<80x128xf32, #tpu.memory_space<hbm>>) target(%arg10 : memref<80x128xf32, #tpu.memory_space<vmem>>) target_semaphore(%arg14 : memref<!tpu.dma_semaphore, #tpu.memory_space<semaphore_mem>>)
    %barrier3A = arith.constant 0 : index
    tpu.barrier barrier_id(%barrier3A)
    %scan3A = arith.constant 0 : i32
    %scan3A_12 = arith.constant 0 : i32
    %scan3A_13 = arith.constant 125 : i32
    %scan3A_14 = arith.addi %scan3A_12, %scan3A_13 : i32
    %scan3A_15 = arith.constant 1 : i32
    scf.for %scan3A_24 = %scan3A_12 to %scan3A_14 step %scan3A_15  : i32 {
      %mul3A_25 = arith.constant 2 : i32
      %mul3A_26 = arith.muli %mul3A_25, %scan3A_24 : i32
      %dma_wait3A_27 = arith.constant 0 : i32
      %dma_wait3A_28 = tpu.memref_slice %arg3[%dma_wait3A_27] : memref<320000xi32, #tpu.memory_space<hbm>> -> memref<80xi32, #tpu.memory_space<hbm>>
      %dma_wait3A_29 = arith.constant 0 : i32
      %dma_wait3A_30 = tpu.memref_slice %arg3[%dma_wait3A_29] : memref<320000xi32, #tpu.memory_space<hbm>> -> memref<80xi32, #tpu.memory_space<hbm>>
      tpu.wait_dma2 semaphore(%arg14 : memref<!tpu.dma_semaphore, #tpu.memory_space<semaphore_mem>>) src(%dma_wait3A_30 : memref<80xi32, #tpu.memory_space<hbm>>) dst(%arg6 : memref<80xi32, #tpu.memory_space<vmem>>)
      %dma_wait3A_31 = arith.constant 0 : i32
      %dma_wait3A_32 = arith.constant 0 : i32
      %dma_wait3A_33 = tpu.memref_slice %arg2[%dma_wait3A_31, %dma_wait3A_32] : memref<320000x128xf32, #tpu.memory_space<hbm>> -> memref<80x128xf32, #tpu.memory_space<hbm>>
      %dma_wait3A_34 = arith.constant 0 : i32
      %dma_wait3A_35 = arith.constant 0 : i32
      %dma_wait3A_36 = tpu.memref_slice %arg2[%dma_wait3A_34, %dma_wait3A_35] : memref<320000x128xf32, #tpu.memory_space<hbm>> -> memref<80x128xf32, #tpu.memory_space<hbm>>
      tpu.wait_dma2 semaphore(%arg14 : memref<!tpu.dma_semaphore, #tpu.memory_space<semaphore_mem>>) src(%dma_wait3A_36 : memref<80x128xf32, #tpu.memory_space<hbm>>) dst(%arg10 : memref<80x128xf32, #tpu.memory_space<vmem>>)
      %get3A = arith.constant 0 : index
      %get3A_37 = tpu.vector_load %arg6[%get3A] {strides = array<i32>} : memref<80xi32, #tpu.memory_space<vmem>>, vector<16xi32>,
      %get3A_38 = vector.shape_cast %get3A_37 : vector<16xi32> to vector<16xi32>
      %sub3A = vector.broadcast %mul3A_2 : i32 to vector<16xi32>
      %sub3A_39 = arith.subi %get3A_38, %sub3A : vector<16xi32>
      %ge3A = arith.constant 0 : i32
      %ge3A_40 = vector.broadcast %ge3A : i32 to vector<16xi32>
      %ge3A_41 = arith.cmpi sge, %sub3A_39, %ge3A_40 : vector<16xi32>
      %lt3A = arith.constant 5120 : i32
      %lt3A_42 = vector.broadcast %lt3A : i32 to vector<16xi32>
      %lt3A_43 = arith.cmpi slt, %sub3A_39, %lt3A_42 : vector<16xi32>
      %and3A = arith.andi %ge3A_41, %lt3A_43 : vector<16xi1>
      %and3A_44 = arith.constant 127 : i32
      %and3A_45 = vector.broadcast %and3A_44 : i32 to vector<16xi32>
      %and3A_46 = arith.andi %get3A_38, %and3A_45 : vector<16xi32>
      %add3A_47 = arith.constant 5120 : i32
      %add3A_48 = vector.broadcast %add3A_47 : i32 to vector<16xi32>
      %add3A_49 = arith.addi %add3A_48, %and3A_46 : vector<16xi32>
      %select_n3A = arith.select %and3A, %sub3A_39, %add3A_49 : vector<16xi1>, vector<16xi32>
      %swap3A = arith.constant 0 : index
      %swap3A_50 = tpu.vector_load %arg8[%swap3A] {strides = array<i32>} : memref<80xi32, #tpu.memory_space<vmem>>, vector<16xi32>,
      %swap3A_51 = vector.shape_cast %swap3A_50 : vector<16xi32> to vector<16xi32>
      %swap3A_52 = vector.shape_cast %select_n3A : vector<16xi32> to vector<16xi32>
      tpu.vector_store %arg8[%swap3A], %swap3A_52 {strides = array<i32>} : memref<80xi32, #tpu.memory_space<vmem>>, vector<16xi32>,
      %get3A_53 = arith.constant 16 : index
      %get3A_54 = tpu.vector_load %arg6[%get3A_53] {strides = array<i32>} : memref<80xi32, #tpu.memory_space<vmem>>, vector<16xi32>,
      %get3A_55 = vector.shape_cast %get3A_54 : vector<16xi32> to vector<16xi32>
      %sub3A_56 = vector.broadcast %mul3A_2 : i32 to vector<16xi32>
      %sub3A_57 = arith.subi %get3A_55, %sub3A_56 : vector<16xi32>
      %ge3A_58 = arith.constant 0 : i32
      %ge3A_59 = vector.broadcast %ge3A_58 : i32 to vector<16xi32>
      %ge3A_60 = arith.cmpi sge, %sub3A_57, %ge3A_59 : vector<16xi32>
      %lt3A_61 = arith.constant 5120 : i32
      %lt3A_62 = vector.broadcast %lt3A_61 : i32 to vector<16xi32>
      %lt3A_63 = arith.cmpi slt, %sub3A_57, %lt3A_62 : vector<16xi32>
      %and3A_64 = arith.andi %ge3A_60, %lt3A_63 : vector<16xi1>
      %and3A_65 = arith.constant 127 : i32
      %and3A_66 = vector.broadcast %and3A_65 : i32 to vector<16xi32>
      %and3A_67 = arith.andi %get3A_55, %and3A_66 : vector<16xi32>
      %add3A_68 = arith.constant 5120 : i32
      %add3A_69 = vector.broadcast %add3A_68 : i32 to vector<16xi32>
      %add3A_70 = arith.addi %add3A_69, %and3A_67 : vector<16xi32>
      %select_n3A_71 = arith.select %and3A_64, %sub3A_57, %add3A_70 : vector<16xi1>, vector<16xi32>
      %swap3A_72 = arith.constant 16 : index
      %swap3A_73 = tpu.vector_load %arg8[%swap3A_72] {strides = array<i32>} : memref<80xi32, #tpu.memory_space<vmem>>, vector<16xi32>,
      %swap3A_74 = vector.shape_cast %swap3A_73 : vector<16xi32> to vector<16xi32>
      %swap3A_75 = vector.shape_cast %select_n3A_71 : vector<16xi32> to vector<16xi32>
      tpu.vector_store %arg8[%swap3A_72], %swap3A_75 {strides = array<i32>} : memref<80xi32, #tpu.memory_space<vmem>>, vector<16xi32>,
      %get3A_76 = arith.constant 32 : index
      %get3A_77 = tpu.vector_load %arg6[%get3A_76] {strides = array<i32>} : memref<80xi32, #tpu.memory_space<vmem>>, vector<16xi32>,
      %get3A_78 = vector.shape_cast %get3A_77 : vector<16xi32> to vector<16xi32>
      %sub3A_79 = vector.broadcast %mul3A_2 : i32 to vector<16xi32>
      %sub3A_80 = arith.subi %get3A_78, %sub3A_79 : vector<16xi32>
      %ge3A_81 = arith.constant 0 : i32
      %ge3A_82 = vector.broadcast %ge3A_81 : i32 to vector<16xi32>
      %ge3A_83 = arith.cmpi sge, %sub3A_80, %ge3A_82 : vector<16xi32>
      %lt3A_84 = arith.constant 5120 : i32
      %lt3A_85 = vector.broadcast %lt3A_84 : i32 to vector<16xi32>
      %lt3A_86 = arith.cmpi slt, %sub3A_80, %lt3A_85 : vector<16xi32>
      %and3A_87 = arith.andi %ge3A_83, %lt3A_86 : vector<16xi1>
      %and3A_88 = arith.constant 127 : i32
      %and3A_89 = vector.broadcast %and3A_88 : i32 to vector<16xi32>
      %and3A_90 = arith.andi %get3A_78, %and3A_89 : vector<16xi32>
      %add3A_91 = arith.constant 5120 : i32
      %add3A_92 = vector.broadcast %add3A_91 : i32 to vector<16xi32>
      %add3A_93 = arith.addi %add3A_92, %and3A_90 : vector<16xi32>
      %select_n3A_94 = arith.select %and3A_87, %sub3A_80, %add3A_93 : vector<16xi1>, vector<16xi32>
      %swap3A_95 = arith.constant 32 : index
      %swap3A_96 = tpu.vector_load %arg8[%swap3A_95] {strides = array<i32>} : memref<80xi32, #tpu.memory_space<vmem>>, vector<16xi32>,
      %swap3A_97 = vector.shape_cast %swap3A_96 : vector<16xi32> to vector<16xi32>
      %swap3A_98 = vector.shape_cast %select_n3A_94 : vector<16xi32> to vector<16xi32>
      tpu.vector_store %arg8[%swap3A_95], %swap3A_98 {strides = array<i32>} : memref<80xi32, #tpu.memory_space<vmem>>, vector<16xi32>,
      %get3A_99 = arith.constant 48 : index
      %get3A_100 = tpu.vector_load %arg6[%get3A_99] {strides = array<i32>} : memref<80xi32, #tpu.memory_space<vmem>>, vector<16xi32>,
      %get3A_101 = vector.shape_cast %get3A_100 : vector<16xi32> to vector<16xi32>
      %sub3A_102 = vector.broadcast %mul3A_2 : i32 to vector<16xi32>
      %sub3A_103 = arith.subi %get3A_101, %sub3A_102 : vector<16xi32>
      %ge3A_104 = arith.constant 0 : i32
      %ge3A_105 = vector.broadcast %ge3A_104 : i32 to vector<16xi32>
      %ge3A_106 = arith.cmpi sge, %sub3A_103, %ge3A_105 : vector<16xi32>
      %lt3A_107 = arith.constant 5120 : i32
      %lt3A_108 = vector.broadcast %lt3A_107 : i32 to vector<16xi32>
      %lt3A_109 = arith.cmpi slt, %sub3A_103, %lt3A_108 : vector<16xi32>
      %and3A_110 = arith.andi %ge3A_106, %lt3A_109 : vector<16xi1>
      %and3A_111 = arith.constant 127 : i32
      %and3A_112 = vector.broadcast %and3A_111 : i32 to vector<16xi32>
      %and3A_113 = arith.andi %get3A_101, %and3A_112 : vector<16xi32>
      %add3A_114 = arith.constant 5120 : i32
      %add3A_115 = vector.broadcast %add3A_114 : i32 to vector<16xi32>
      %add3A_116 = arith.addi %add3A_115, %and3A_113 : vector<16xi32>
      %select_n3A_117 = arith.select %and3A_110, %sub3A_103, %add3A_116 : vector<16xi1>, vector<16xi32>
      %swap3A_118 = arith.constant 48 : index
      %swap3A_119 = tpu.vector_load %arg8[%swap3A_118] {strides = array<i32>} : memref<80xi32, #tpu.memory_space<vmem>>, vector<16xi32>,
      %swap3A_120 = vector.shape_cast %swap3A_119 : vector<16xi32> to vector<16xi32>
      %swap3A_121 = vector.shape_cast %select_n3A_117 : vector<16xi32> to vector<16xi32>
      tpu.vector_store %arg8[%swap3A_118], %swap3A_121 {strides = array<i32>} : memref<80xi32, #tpu.memory_space<vmem>>, vector<16xi32>,
      %get3A_122 = arith.constant 64 : index
      %get3A_123 = tpu.vector_load %arg6[%get3A_122] {strides = array<i32>} : memref<80xi32, #tpu.memory_space<vmem>>, vector<16xi32>,
      %get3A_124 = vector.shape_cast %get3A_123 : vector<16xi32> to vector<16xi32>
      %sub3A_125 = vector.broadcast %mul3A_2 : i32 to vector<16xi32>
      %sub3A_126 = arith.subi %get3A_124, %sub3A_125 : vector<16xi32>
      %ge3A_127 = arith.constant 0 : i32
      %ge3A_128 = vector.broadcast %ge3A_127 : i32 to vector<16xi32>
      %ge3A_129 = arith.cmpi sge, %sub3A_126, %ge3A_128 : vector<16xi32>
      %lt3A_130 = arith.constant 5120 : i32
      %lt3A_131 = vector.broadcast %lt3A_130 : i32 to vector<16xi32>
      %lt3A_132 = arith.cmpi slt, %sub3A_126, %lt3A_131 : vector<16xi32>
      %and3A_133 = arith.andi %ge3A_129, %lt3A_132 : vector<16xi1>
      %and3A_134 = arith.constant 127 : i32
      %and3A_135 = vector.broadcast %and3A_134 : i32 to vector<16xi32>
      %and3A_136 = arith.andi %get3A_124, %and3A_135 : vector<16xi32>
      %add3A_137 = arith.constant 5120 : i32
      %add3A_138 = vector.broadcast %add3A_137 : i32 to vector<16xi32>
      %add3A_139 = arith.addi %add3A_138, %and3A_136 : vector<16xi32>
      %select_n3A_140 = arith.select %and3A_133, %sub3A_126, %add3A_139 : vector<16xi1>, vector<16xi32>
      %swap3A_141 = arith.constant 64 : index
      %swap3A_142 = tpu.vector_load %arg8[%swap3A_141] {strides = array<i32>} : memref<80xi32, #tpu.memory_space<vmem>>, vector<16xi32>,
      %swap3A_143 = vector.shape_cast %swap3A_142 : vector<16xi32> to vector<16xi32>
      %swap3A_144 = vector.shape_cast %select_n3A_140 : vector<16xi32> to vector<16xi32>
      tpu.vector_store %arg8[%swap3A_141], %swap3A_144 {strides = array<i32>} : memref<80xi32, #tpu.memory_space<vmem>>, vector<16xi32>,
      %dma_start3A_145 = arith.constant 0 : i32
      %dma_start3A_146 = arith.constant 0 : i32
      %dma_start3A_147 = tpu.memref_slice %arg13[%dma_start3A_145, %dma_start3A_146] : memref<5248x128xf32, #tpu.memory_space<vmem_shared>> -> memref<5248x128xf32, #tpu.memory_space<vmem_shared>>
      tpu.enqueue_indirect_dma source(%arg10 : memref<80x128xf32, #tpu.memory_space<vmem>>) target(%dma_start3A_147 : memref<5248x128xf32, #tpu.memory_space<vmem_shared>>) offsets(%arg8 : memref<80xi32, #tpu.memory_space<vmem>>) semaphore(%arg16 : memref<!tpu.dma_semaphore, #tpu.memory_space<semaphore_mem>>) {add = true}
      %gt3A = arith.constant 0 : i32
      %gt3A_148 = arith.cmpi sgt, %scan3A_24, %gt3A : i32
      %convert_element_type3A = arith.extui %gt3A_148 : i1 to i32
      %cond3A = arith.constant 0 : i32
      %cond3A_149 = arith.cmpi ne, %convert_element_type3A, %cond3A : i32
      scf.if %cond3A_149 {
        %dma_wait3A_300 = arith.constant 0 : i32
        %dma_wait3A_301 = arith.constant 0 : i32
        %dma_wait3A_302 = tpu.memref_slice %arg13[%dma_wait3A_300, %dma_wait3A_301] : memref<5248x128xf32, #tpu.memory_space<vmem_shared>> -> memref<5248x128xf32, #tpu.memory_space<vmem_shared>>
        tpu.wait_indirect_dma semaphore(%arg17 : memref<!tpu.dma_semaphore, #tpu.memory_space<semaphore_mem>>) src(%arg11 : memref<80x128xf32, #tpu.memory_space<vmem>>) dst(%dma_wait3A_302 : memref<5248x128xf32, #tpu.memory_space<vmem_shared>>)
      } else {
      }
      %add3A_150 = arith.constant 1 : i32
      %add3A_151 = arith.addi %mul3A_26, %add3A_150 : i32
      %mul3A_152 = arith.constant 80 : i32
      %mul3A_153 = arith.muli %add3A_151, %mul3A_152 : i32
      %add3A_154 = arith.addi %multiple_of3A, %mul3A_153 : i32
      %multiple_of3A_155 = tpu.assume_multiple %add3A_154, 8 : i32
      %dma_start3A_156 = tpu.memref_slice %arg3[%multiple_of3A_155] : memref<320000xi32, #tpu.memory_space<hbm>> -> memref<80xi32, #tpu.memory_space<hbm>>
      %dma_start3A_157 = tpu.memref_slice %arg3[%multiple_of3A_155] : memref<320000xi32, #tpu.memory_space<hbm>> -> memref<80xi32, #tpu.memory_space<hbm>>
      tpu.enqueue_dma source(%dma_start3A_157 : memref<80xi32, #tpu.memory_space<hbm>>) target(%arg7 : memref<80xi32, #tpu.memory_space<vmem>>) target_semaphore(%arg15 : memref<!tpu.dma_semaphore, #tpu.memory_space<semaphore_mem>>)
      %dma_start3A_158 = arith.constant 0 : i32
      %dma_start3A_159 = tpu.memref_slice %arg2[%multiple_of3A_155, %dma_start3A_158] : memref<320000x128xf32, #tpu.memory_space<hbm>> -> memref<80x128xf32, #tpu.memory_space<hbm>>
      %dma_start3A_160 = arith.constant 0 : i32
      %dma_start3A_161 = tpu.memref_slice %arg2[%multiple_of3A_155, %dma_start3A_160] : memref<320000x128xf32, #tpu.memory_space<hbm>> -> memref<80x128xf32, #tpu.memory_space<hbm>>
      tpu.enqueue_dma source(%dma_start3A_161 : memref<80x128xf32, #tpu.memory_space<hbm>>) target(%arg11 : memref<80x128xf32, #tpu.memory_space<vmem>>) target_semaphore(%arg15 : memref<!tpu.dma_semaphore, #tpu.memory_space<semaphore_mem>>)
      %dma_wait3A_162 = arith.constant 0 : i32
      %dma_wait3A_163 = tpu.memref_slice %arg3[%dma_wait3A_162] : memref<320000xi32, #tpu.memory_space<hbm>> -> memref<80xi32, #tpu.memory_space<hbm>>
      %dma_wait3A_164 = arith.constant 0 : i32
      %dma_wait3A_165 = tpu.memref_slice %arg3[%dma_wait3A_164] : memref<320000xi32, #tpu.memory_space<hbm>> -> memref<80xi32, #tpu.memory_space<hbm>>
      tpu.wait_dma2 semaphore(%arg15 : memref<!tpu.dma_semaphore, #tpu.memory_space<semaphore_mem>>) src(%dma_wait3A_165 : memref<80xi32, #tpu.memory_space<hbm>>) dst(%arg7 : memref<80xi32, #tpu.memory_space<vmem>>)
      %dma_wait3A_166 = arith.constant 0 : i32
      %dma_wait3A_167 = arith.constant 0 : i32
      %dma_wait3A_168 = tpu.memref_slice %arg2[%dma_wait3A_166, %dma_wait3A_167] : memref<320000x128xf32, #tpu.memory_space<hbm>> -> memref<80x128xf32, #tpu.memory_space<hbm>>
      %dma_wait3A_169 = arith.constant 0 : i32
      %dma_wait3A_170 = arith.constant 0 : i32
      %dma_wait3A_171 = tpu.memref_slice %arg2[%dma_wait3A_169, %dma_wait3A_170] : memref<320000x128xf32, #tpu.memory_space<hbm>> -> memref<80x128xf32, #tpu.memory_space<hbm>>
      tpu.wait_dma2 semaphore(%arg15 : memref<!tpu.dma_semaphore, #tpu.memory_space<semaphore_mem>>) src(%dma_wait3A_171 : memref<80x128xf32, #tpu.memory_space<hbm>>) dst(%arg11 : memref<80x128xf32, #tpu.memory_space<vmem>>)
      %get3A_172 = arith.constant 0 : index
      %get3A_173 = tpu.vector_load %arg7[%get3A_172] {strides = array<i32>} : memref<80xi32, #tpu.memory_space<vmem>>, vector<16xi32>,
      %get3A_174 = vector.shape_cast %get3A_173 : vector<16xi32> to vector<16xi32>
      %sub3A_175 = vector.broadcast %mul3A_2 : i32 to vector<16xi32>
      %sub3A_176 = arith.subi %get3A_174, %sub3A_175 : vector<16xi32>
      %ge3A_177 = arith.constant 0 : i32
      %ge3A_178 = vector.broadcast %ge3A_177 : i32 to vector<16xi32>
      %ge3A_179 = arith.cmpi sge, %sub3A_176, %ge3A_178 : vector<16xi32>
      %lt3A_180 = arith.constant 5120 : i32
      %lt3A_181 = vector.broadcast %lt3A_180 : i32 to vector<16xi32>
      %lt3A_182 = arith.cmpi slt, %sub3A_176, %lt3A_181 : vector<16xi32>
      %and3A_183 = arith.andi %ge3A_179, %lt3A_182 : vector<16xi1>
      %and3A_184 = arith.constant 127 : i32
      %and3A_185 = vector.broadcast %and3A_184 : i32 to vector<16xi32>
      %and3A_186 = arith.andi %get3A_174, %and3A_185 : vector<16xi32>
      %add3A_187 = arith.constant 5120 : i32
      %add3A_188 = vector.broadcast %add3A_187 : i32 to vector<16xi32>
      %add3A_189 = arith.addi %add3A_188, %and3A_186 : vector<16xi32>
      %select_n3A_190 = arith.select %and3A_183, %sub3A_176, %add3A_189 : vector<16xi1>, vector<16xi32>
      %swap3A_191 = arith.constant 0 : index
      %swap3A_192 = tpu.vector_load %arg9[%swap3A_191] {strides = array<i32>} : memref<80xi32, #tpu.memory_space<vmem>>, vector<16xi32>,
      %swap3A_193 = vector.shape_cast %swap3A_192 : vector<16xi32> to vector<16xi32>
      %swap3A_194 = vector.shape_cast %select_n3A_190 : vector<16xi32> to vector<16xi32>
      tpu.vector_store %arg9[%swap3A_191], %swap3A_194 {strides = array<i32>} : memref<80xi32, #tpu.memory_space<vmem>>, vector<16xi32>,
      %get3A_195 = arith.constant 16 : index
      %get3A_196 = tpu.vector_load %arg7[%get3A_195] {strides = array<i32>} : memref<80xi32, #tpu.memory_space<vmem>>, vector<16xi32>,
      %get3A_197 = vector.shape_cast %get3A_196 : vector<16xi32> to vector<16xi32>
      %sub3A_198 = vector.broadcast %mul3A_2 : i32 to vector<16xi32>
      %sub3A_199 = arith.subi %get3A_197, %sub3A_198 : vector<16xi32>
      %ge3A_200 = arith.constant 0 : i32
      %ge3A_201 = vector.broadcast %ge3A_200 : i32 to vector<16xi32>
      %ge3A_202 = arith.cmpi sge, %sub3A_199, %ge3A_201 : vector<16xi32>
      %lt3A_203 = arith.constant 5120 : i32
      %lt3A_204 = vector.broadcast %lt3A_203 : i32 to vector<16xi32>
      %lt3A_205 = arith.cmpi slt, %sub3A_199, %lt3A_204 : vector<16xi32>
      %and3A_206 = arith.andi %ge3A_202, %lt3A_205 : vector<16xi1>
      %and3A_207 = arith.constant 127 : i32
      %and3A_208 = vector.broadcast %and3A_207 : i32 to vector<16xi32>
      %and3A_209 = arith.andi %get3A_197, %and3A_208 : vector<16xi32>
      %add3A_210 = arith.constant 5120 : i32
      %add3A_211 = vector.broadcast %add3A_210 : i32 to vector<16xi32>
      %add3A_212 = arith.addi %add3A_211, %and3A_209 : vector<16xi32>
      %select_n3A_213 = arith.select %and3A_206, %sub3A_199, %add3A_212 : vector<16xi1>, vector<16xi32>
      %swap3A_214 = arith.constant 16 : index
      %swap3A_215 = tpu.vector_load %arg9[%swap3A_214] {strides = array<i32>} : memref<80xi32, #tpu.memory_space<vmem>>, vector<16xi32>,
      %swap3A_216 = vector.shape_cast %swap3A_215 : vector<16xi32> to vector<16xi32>
      %swap3A_217 = vector.shape_cast %select_n3A_213 : vector<16xi32> to vector<16xi32>
      tpu.vector_store %arg9[%swap3A_214], %swap3A_217 {strides = array<i32>} : memref<80xi32, #tpu.memory_space<vmem>>, vector<16xi32>,
      %get3A_218 = arith.constant 32 : index
      %get3A_219 = tpu.vector_load %arg7[%get3A_218] {strides = array<i32>} : memref<80xi32, #tpu.memory_space<vmem>>, vector<16xi32>,
      %get3A_220 = vector.shape_cast %get3A_219 : vector<16xi32> to vector<16xi32>
      %sub3A_221 = vector.broadcast %mul3A_2 : i32 to vector<16xi32>
      %sub3A_222 = arith.subi %get3A_220, %sub3A_221 : vector<16xi32>
      %ge3A_223 = arith.constant 0 : i32
      %ge3A_224 = vector.broadcast %ge3A_223 : i32 to vector<16xi32>
      %ge3A_225 = arith.cmpi sge, %sub3A_222, %ge3A_224 : vector<16xi32>
      %lt3A_226 = arith.constant 5120 : i32
      %lt3A_227 = vector.broadcast %lt3A_226 : i32 to vector<16xi32>
      %lt3A_228 = arith.cmpi slt, %sub3A_222, %lt3A_227 : vector<16xi32>
      %and3A_229 = arith.andi %ge3A_225, %lt3A_228 : vector<16xi1>
      %and3A_230 = arith.constant 127 : i32
      %and3A_231 = vector.broadcast %and3A_230 : i32 to vector<16xi32>
      %and3A_232 = arith.andi %get3A_220, %and3A_231 : vector<16xi32>
      %add3A_233 = arith.constant 5120 : i32
      %add3A_234 = vector.broadcast %add3A_233 : i32 to vector<16xi32>
      %add3A_235 = arith.addi %add3A_234, %and3A_232 : vector<16xi32>
      %select_n3A_236 = arith.select %and3A_229, %sub3A_222, %add3A_235 : vector<16xi1>, vector<16xi32>
      %swap3A_237 = arith.constant 32 : index
      %swap3A_238 = tpu.vector_load %arg9[%swap3A_237] {strides = array<i32>} : memref<80xi32, #tpu.memory_space<vmem>>, vector<16xi32>,
      %swap3A_239 = vector.shape_cast %swap3A_238 : vector<16xi32> to vector<16xi32>
      %swap3A_240 = vector.shape_cast %select_n3A_236 : vector<16xi32> to vector<16xi32>
      tpu.vector_store %arg9[%swap3A_237], %swap3A_240 {strides = array<i32>} : memref<80xi32, #tpu.memory_space<vmem>>, vector<16xi32>,
      %get3A_241 = arith.constant 48 : index
      %get3A_242 = tpu.vector_load %arg7[%get3A_241] {strides = array<i32>} : memref<80xi32, #tpu.memory_space<vmem>>, vector<16xi32>,
      %get3A_243 = vector.shape_cast %get3A_242 : vector<16xi32> to vector<16xi32>
      %sub3A_244 = vector.broadcast %mul3A_2 : i32 to vector<16xi32>
      %sub3A_245 = arith.subi %get3A_243, %sub3A_244 : vector<16xi32>
      %ge3A_246 = arith.constant 0 : i32
      %ge3A_247 = vector.broadcast %ge3A_246 : i32 to vector<16xi32>
      %ge3A_248 = arith.cmpi sge, %sub3A_245, %ge3A_247 : vector<16xi32>
      %lt3A_249 = arith.constant 5120 : i32
      %lt3A_250 = vector.broadcast %lt3A_249 : i32 to vector<16xi32>
      %lt3A_251 = arith.cmpi slt, %sub3A_245, %lt3A_250 : vector<16xi32>
      %and3A_252 = arith.andi %ge3A_248, %lt3A_251 : vector<16xi1>
      %and3A_253 = arith.constant 127 : i32
      %and3A_254 = vector.broadcast %and3A_253 : i32 to vector<16xi32>
      %and3A_255 = arith.andi %get3A_243, %and3A_254 : vector<16xi32>
      %add3A_256 = arith.constant 5120 : i32
      %add3A_257 = vector.broadcast %add3A_256 : i32 to vector<16xi32>
      %add3A_258 = arith.addi %add3A_257, %and3A_255 : vector<16xi32>
      %select_n3A_259 = arith.select %and3A_252, %sub3A_245, %add3A_258 : vector<16xi1>, vector<16xi32>
      %swap3A_260 = arith.constant 48 : index
      %swap3A_261 = tpu.vector_load %arg9[%swap3A_260] {strides = array<i32>} : memref<80xi32, #tpu.memory_space<vmem>>, vector<16xi32>,
      %swap3A_262 = vector.shape_cast %swap3A_261 : vector<16xi32> to vector<16xi32>
      %swap3A_263 = vector.shape_cast %select_n3A_259 : vector<16xi32> to vector<16xi32>
      tpu.vector_store %arg9[%swap3A_260], %swap3A_263 {strides = array<i32>} : memref<80xi32, #tpu.memory_space<vmem>>, vector<16xi32>,
      %get3A_264 = arith.constant 64 : index
      %get3A_265 = tpu.vector_load %arg7[%get3A_264] {strides = array<i32>} : memref<80xi32, #tpu.memory_space<vmem>>, vector<16xi32>,
      %get3A_266 = vector.shape_cast %get3A_265 : vector<16xi32> to vector<16xi32>
      %sub3A_267 = vector.broadcast %mul3A_2 : i32 to vector<16xi32>
      %sub3A_268 = arith.subi %get3A_266, %sub3A_267 : vector<16xi32>
      %ge3A_269 = arith.constant 0 : i32
      %ge3A_270 = vector.broadcast %ge3A_269 : i32 to vector<16xi32>
      %ge3A_271 = arith.cmpi sge, %sub3A_268, %ge3A_270 : vector<16xi32>
      %lt3A_272 = arith.constant 5120 : i32
      %lt3A_273 = vector.broadcast %lt3A_272 : i32 to vector<16xi32>
      %lt3A_274 = arith.cmpi slt, %sub3A_268, %lt3A_273 : vector<16xi32>
      %and3A_275 = arith.andi %ge3A_271, %lt3A_274 : vector<16xi1>
      %and3A_276 = arith.constant 127 : i32
      %and3A_277 = vector.broadcast %and3A_276 : i32 to vector<16xi32>
      %and3A_278 = arith.andi %get3A_266, %and3A_277 : vector<16xi32>
      %add3A_279 = arith.constant 5120 : i32
      %add3A_280 = vector.broadcast %add3A_279 : i32 to vector<16xi32>
      %add3A_281 = arith.addi %add3A_280, %and3A_278 : vector<16xi32>
      %select_n3A_282 = arith.select %and3A_275, %sub3A_268, %add3A_281 : vector<16xi1>, vector<16xi32>
      %swap3A_283 = arith.constant 64 : index
      %swap3A_284 = tpu.vector_load %arg9[%swap3A_283] {strides = array<i32>} : memref<80xi32, #tpu.memory_space<vmem>>, vector<16xi32>,
      %swap3A_285 = vector.shape_cast %swap3A_284 : vector<16xi32> to vector<16xi32>
      %swap3A_286 = vector.shape_cast %select_n3A_282 : vector<16xi32> to vector<16xi32>
      tpu.vector_store %arg9[%swap3A_283], %swap3A_286 {strides = array<i32>} : memref<80xi32, #tpu.memory_space<vmem>>, vector<16xi32>,
      %dma_start3A_287 = arith.constant 0 : i32
      %dma_start3A_288 = arith.constant 0 : i32
      %dma_start3A_289 = tpu.memref_slice %arg13[%dma_start3A_287, %dma_start3A_288] : memref<5248x128xf32, #tpu.memory_space<vmem_shared>> -> memref<5248x128xf32, #tpu.memory_space<vmem_shared>>
      tpu.enqueue_indirect_dma source(%arg11 : memref<80x128xf32, #tpu.memory_space<vmem>>) target(%dma_start3A_289 : memref<5248x128xf32, #tpu.memory_space<vmem_shared>>) offsets(%arg9 : memref<80xi32, #tpu.memory_space<vmem>>) semaphore(%arg17 : memref<!tpu.dma_semaphore, #tpu.memory_space<semaphore_mem>>) {add = true}
      %dma_wait3A_290 = arith.constant 0 : i32
      %dma_wait3A_291 = arith.constant 0 : i32
      %dma_wait3A_292 = tpu.memref_slice %arg13[%dma_wait3A_290, %dma_wait3A_291] : memref<5248x128xf32, #tpu.memory_space<vmem_shared>> -> memref<5248x128xf32, #tpu.memory_space<vmem_shared>>
      tpu.wait_indirect_dma semaphore(%arg16 : memref<!tpu.dma_semaphore, #tpu.memory_space<semaphore_mem>>) src(%arg10 : memref<80x128xf32, #tpu.memory_space<vmem>>) dst(%dma_wait3A_292 : memref<5248x128xf32, #tpu.memory_space<vmem_shared>>)
      %add3A_293 = arith.constant 1 : i32
      %add3A_294 = arith.addi %scan3A_24, %add3A_293 : i32
      %lt3A_295 = arith.constant 125 : i32
      %lt3A_296 = arith.cmpi slt, %add3A_294, %lt3A_295 : i32
      %convert_element_type3A_297 = arith.extui %lt3A_296 : i1 to i32
      %cond3A_298 = arith.constant 0 : i32
      %cond3A_299 = arith.cmpi ne, %convert_element_type3A_297, %cond3A_298 : i32
      scf.if %cond3A_299 {
        %add3A_300 = arith.constant 2 : i32
        %add3A_301 = arith.addi %mul3A_26, %add3A_300 : i32
        %mul3A_302 = arith.constant 80 : i32
        %mul3A_303 = arith.muli %add3A_301, %mul3A_302 : i32
        %add3A_304 = arith.addi %multiple_of3A, %mul3A_303 : i32
        %multiple_of3A_305 = tpu.assume_multiple %add3A_304, 8 : i32
        %dma_start3A_306 = tpu.memref_slice %arg3[%multiple_of3A_305] : memref<320000xi32, #tpu.memory_space<hbm>> -> memref<80xi32, #tpu.memory_space<hbm>>
        %dma_start3A_307 = tpu.memref_slice %arg3[%multiple_of3A_305] : memref<320000xi32, #tpu.memory_space<hbm>> -> memref<80xi32, #tpu.memory_space<hbm>>
        tpu.enqueue_dma source(%dma_start3A_307 : memref<80xi32, #tpu.memory_space<hbm>>) target(%arg6 : memref<80xi32, #tpu.memory_space<vmem>>) target_semaphore(%arg14 : memref<!tpu.dma_semaphore, #tpu.memory_space<semaphore_mem>>)
        %dma_start3A_308 = arith.constant 0 : i32
        %dma_start3A_309 = tpu.memref_slice %arg2[%multiple_of3A_305, %dma_start3A_308] : memref<320000x128xf32, #tpu.memory_space<hbm>> -> memref<80x128xf32, #tpu.memory_space<hbm>>
        %dma_start3A_310 = arith.constant 0 : i32
        %dma_start3A_311 = tpu.memref_slice %arg2[%multiple_of3A_305, %dma_start3A_310] : memref<320000x128xf32, #tpu.memory_space<hbm>> -> memref<80x128xf32, #tpu.memory_space<hbm>>
        tpu.enqueue_dma source(%dma_start3A_311 : memref<80x128xf32, #tpu.memory_space<hbm>>) target(%arg10 : memref<80x128xf32, #tpu.memory_space<vmem>>) target_semaphore(%arg14 : memref<!tpu.dma_semaphore, #tpu.memory_space<semaphore_mem>>)
      } else {
      }
    }
    %scan3A_16 = arith.constant 125 : i32
    %dma_wait3A = arith.constant 0 : i32
    %dma_wait3A_17 = arith.constant 0 : i32
    %dma_wait3A_18 = tpu.memref_slice %arg13[%dma_wait3A, %dma_wait3A_17] : memref<5248x128xf32, #tpu.memory_space<vmem_shared>> -> memref<5248x128xf32, #tpu.memory_space<vmem_shared>>
    tpu.wait_indirect_dma semaphore(%arg17 : memref<!tpu.dma_semaphore, #tpu.memory_space<semaphore_mem>>) src(%arg11 : memref<80x128xf32, #tpu.memory_space<vmem>>) dst(%dma_wait3A_18 : memref<5248x128xf32, #tpu.memory_space<vmem_shared>>)
    %barrier3A_19 = arith.constant 0 : index
    tpu.barrier barrier_id(%barrier3A_19)
    %mul3A_20 = arith.constant 320 : i32
    %mul3A_21 = arith.muli %arg1, %mul3A_20 : i32
    "tpu.region"() ({
      %run_scoped3A = tpu.sem_alloc : memref<!tpu.dma_semaphore, #tpu.memory_space<semaphore_mem>>
      %dma_start3A_24 = arith.constant 0 : i32
      %dma_start3A_25 = tpu.memref_slice %arg13[%mul3A_21, %dma_start3A_24] : memref<5248x128xf32, #tpu.memory_space<vmem_shared>> -> memref<320x128xf32, #tpu.memory_space<vmem_shared>>
      %dma_start3A_26 = arith.constant 0 : i32
      %dma_start3A_27 = tpu.memref_slice %arg13[%mul3A_21, %dma_start3A_26] : memref<5248x128xf32, #tpu.memory_space<vmem_shared>> -> memref<320x128xf32, #tpu.memory_space<vmem_shared>>
      tpu.enqueue_dma source(%dma_start3A_27 : memref<320x128xf32, #tpu.memory_space<vmem_shared>>) target(%arg12 : memref<320x128xf32, #tpu.memory_space<vmem>>) target_semaphore(%run_scoped3A : memref<!tpu.dma_semaphore, #tpu.memory_space<semaphore_mem>>)
      %dma_wait3A_28 = arith.constant 0 : i32
      %dma_wait3A_29 = tpu.memref_slice %arg13[%mul3A_21, %dma_wait3A_28] : memref<5248x128xf32, #tpu.memory_space<vmem_shared>> -> memref<320x128xf32, #tpu.memory_space<vmem_shared>>
      %dma_wait3A_30 = arith.constant 0 : i32
      %dma_wait3A_31 = tpu.memref_slice %arg13[%mul3A_21, %dma_wait3A_30] : memref<5248x128xf32, #tpu.memory_space<vmem_shared>> -> memref<320x128xf32, #tpu.memory_space<vmem_shared>>
      tpu.wait_dma2 semaphore(%run_scoped3A : memref<!tpu.dma_semaphore, #tpu.memory_space<semaphore_mem>>) src(%dma_wait3A_31 : memref<320x128xf32, #tpu.memory_space<vmem_shared>>) dst(%arg12 : memref<320x128xf32, #tpu.memory_space<vmem>>)
      tpu.yield
    }) : () -> ()
    %mul3A_22 = arith.constant 320 : i32
    %mul3A_23 = arith.muli %arg1, %mul3A_22 : i32
    "tpu.region"() ({
      %run_scoped3A = tpu.sem_alloc : memref<!tpu.dma_semaphore, #tpu.memory_space<semaphore_mem>>
      %dma_start3A_24 = arith.constant 0 : i32
      %dma_start3A_25 = arith.constant 0 : i32
      %dma_start3A_26 = tpu.memref_slice %arg5[%arg0, %dma_start3A_24, %dma_start3A_25] : memref<2x5120x128xf32, #tpu.memory_space<hbm>> -> memref<1x5120x128xf32, #tpu.memory_space<hbm>>
      %dma_start3A_27 = tpu.memref_squeeze %dma_start3A_26 : memref<1x5120x128xf32, #tpu.memory_space<hbm>> -> memref<5120x128xf32, #tpu.memory_space<hbm>>
      %dma_start3A_28 = arith.constant 0 : i32
      %dma_start3A_29 = tpu.memref_slice %dma_start3A_27[%mul3A_23, %dma_start3A_28] : memref<5120x128xf32, #tpu.memory_space<hbm>> -> memref<320x128xf32, #tpu.memory_space<hbm>>
      %dma_start3A_30 = arith.constant 0 : i32
      %dma_start3A_31 = arith.constant 0 : i32
      %dma_start3A_32 = tpu.memref_slice %arg5[%arg0, %dma_start3A_30, %dma_start3A_31] : memref<2x5120x128xf32, #tpu.memory_space<hbm>> -> memref<1x5120x128xf32, #tpu.memory_space<hbm>>
      %dma_start3A_33 = tpu.memref_squeeze %dma_start3A_32 : memref<1x5120x128xf32, #tpu.memory_space<hbm>> -> memref<5120x128xf32, #tpu.memory_space<hbm>>
      %dma_start3A_34 = arith.constant 0 : i32
      %dma_start3A_35 = tpu.memref_slice %dma_start3A_33[%mul3A_23, %dma_start3A_34] : memref<5120x128xf32, #tpu.memory_space<hbm>> -> memref<320x128xf32, #tpu.memory_space<hbm>>
      tpu.enqueue_dma source(%arg12 : memref<320x128xf32, #tpu.memory_space<vmem>>) target(%dma_start3A_35 : memref<320x128xf32, #tpu.memory_space<hbm>>) target_semaphore(%run_scoped3A : memref<!tpu.dma_semaphore, #tpu.memory_space<semaphore_mem>>)
      %dma_wait3A_36 = arith.constant 0 : i32
      %dma_wait3A_37 = arith.constant 0 : i32
      %dma_wait3A_38 = tpu.memref_slice %arg5[%arg0, %dma_wait3A_36, %dma_wait3A_37] : memref<2x5120x128xf32, #tpu.memory_space<hbm>> -> memref<1x5120x128xf32, #tpu.memory_space<hbm>>
      %dma_wait3A_39 = tpu.memref_squeeze %dma_wait3A_38 : memref<1x5120x128xf32, #tpu.memory_space<hbm>> -> memref<5120x128xf32, #tpu.memory_space<hbm>>
      %dma_wait3A_40 = arith.constant 0 : i32
      %dma_wait3A_41 = tpu.memref_slice %dma_wait3A_39[%mul3A_23, %dma_wait3A_40] : memref<5120x128xf32, #tpu.memory_space<hbm>> -> memref<320x128xf32, #tpu.memory_space<hbm>>
      %dma_wait3A_42 = arith.constant 0 : i32
      %dma_wait3A_43 = arith.constant 0 : i32
      %dma_wait3A_44 = tpu.memref_slice %arg5[%arg0, %dma_wait3A_42, %dma_wait3A_43] : memref<2x5120x128xf32, #tpu.memory_space<hbm>> -> memref<1x5120x128xf32, #tpu.memory_space<hbm>>
      %dma_wait3A_45 = tpu.memref_squeeze %dma_wait3A_44 : memref<1x5120x128xf32, #tpu.memory_space<hbm>> -> memref<5120x128xf32, #tpu.memory_space<hbm>>
      %dma_wait3A_46 = arith.constant 0 : i32
      %dma_wait3A_47 = tpu.memref_slice %dma_wait3A_45[%mul3A_23, %dma_wait3A_46] : memref<5120x128xf32, #tpu.memory_space<hbm>> -> memref<320x128xf32, #tpu.memory_space<hbm>>
      tpu.wait_dma2 semaphore(%run_scoped3A : memref<!tpu.dma_semaphore, #tpu.memory_space<semaphore_mem>>) src(%arg12 : memref<320x128xf32, #tpu.memory_space<vmem>>) dst(%dma_wait3A_47 : memref<320x128xf32, #tpu.memory_space<hbm>>)
      tpu.yield
    }) : () -> ()
    return
  }
}

module attributes {stable_mosaic.version = 14 : i64} {
  func.func @_node_pre_body(%arg0: i32, %arg1: memref<1000x128xf32, #tpu.memory_space<vmem>>, %arg2: memref<1000x3xf32, #tpu.memory_space<vmem>>, %arg3: memref<128x128xf32, #tpu.memory_space<vmem>>, %arg4: memref<128x128xf32, #tpu.memory_space<vmem>>, %arg5: memref<1x128xf32, #tpu.memory_space<vmem>>, %arg6: memref<1x128xf32, #tpu.memory_space<vmem>>, %arg7: memref<1000x128xf32, #tpu.memory_space<vmem>>, %arg8: memref<1000x128xf32, #tpu.memory_space<vmem>>) attributes {dimension_semantics = [#tpu.dimension_semantics<arbitrary>], iteration_bounds = array<i64: 10>, scalar_prefetch = 0 : i64, scratch_operands = 0 : i64, tpu.core_type = #tpu.core_type<tc>, window_params = [{transform_indices = @transform_0, window_bounds = array<i64: 1000, 128>}, {transform_indices = @transform_1, window_bounds = array<i64: 1000, 3>}, {pipeline_mode = #tpu.pipeline_mode<synchronous>, transform_indices = @transform_2, window_bounds = array<i64: 128, 128>}, {pipeline_mode = #tpu.pipeline_mode<synchronous>, transform_indices = @transform_3, window_bounds = array<i64: 128, 128>}, {pipeline_mode = #tpu.pipeline_mode<synchronous>, transform_indices = @transform_4, window_bounds = array<i64: 1, 128>}, {pipeline_mode = #tpu.pipeline_mode<synchronous>, transform_indices = @transform_5, window_bounds = array<i64: 1, 128>}, {transform_indices = @transform_6, window_bounds = array<i64: 1000, 128>}, {transform_indices = @transform_7, window_bounds = array<i64: 1000, 128>}]} {
    %get3A = arith.constant 0 : index
    %get3A_0 = arith.constant 0 : index
    %get3A_1 = vector.load %arg1[%get3A, %get3A_0] : memref<1000x128xf32, #tpu.memory_space<vmem>>, vector<1000x128xf32>
    %get3A_2 = arith.constant 0 : index
    %get3A_3 = arith.constant 0 : index
    %get3A_4 = vector.load %arg2[%get3A_2, %get3A_3] : memref<1000x3xf32, #tpu.memory_space<vmem>>, vector<1000x3xf32>
    %mul3A = arith.mulf %get3A_4, %get3A_4 : vector<1000x3xf32>
    %reduce_sum3A = arith.constant dense<0.000000e+00> : vector<1000xf32>
    %reduce_sum3A_5 = vector.multi_reduction <add>, %mul3A, %reduce_sum3A [1] : vector<1000x3xf32> to vector<1000xf32>
    %broadcast_in_dim3A = vector.shape_cast %reduce_sum3A_5 : vector<1000xf32> to vector<1000x1xf32>
    %get3A_6 = arith.constant 0 : index
    %get3A_7 = arith.constant 0 : index
    %get3A_8 = vector.load %arg6[%get3A_6, %get3A_7] : memref<1x128xf32, #tpu.memory_space<vmem>>, vector<1x128xf32>
    %mul3A_9 = vector.broadcast %broadcast_in_dim3A : vector<1000x1xf32> to vector<1000x128xf32>
    %mul3A_10 = vector.broadcast %get3A_8 : vector<1x128xf32> to vector<1000x128xf32>
    %mul3A_11 = arith.mulf %mul3A_9, %mul3A_10 : vector<1000x128xf32>
    %get3A_12 = arith.constant 0 : index
    %get3A_13 = arith.constant 0 : index
    %get3A_14 = vector.load %arg3[%get3A_12, %get3A_13] : memref<128x128xf32, #tpu.memory_space<vmem>>, vector<128x128xf32>
    %dot_general3A = arith.constant dense<0.000000e+00> : vector<1000x128xf32>
    %dot_general3A_15 = tpu.matmul %get3A_1, %get3A_14, %dot_general3A {dimension_numbers = #tpu.dot_dimension_numbers<[1], [0], [0], [1], [0, 0, 1, 1], [], []>, transpose_lhs_hint = false} : vector<1000x128xf32>, vector<128x128xf32>, vector<1000x128xf32> -> vector<1000x128xf32>
    %get3A_16 = arith.constant 0 : index
    %get3A_17 = arith.constant 0 : index
    %get3A_18 = vector.load %arg5[%get3A_16, %get3A_17] : memref<1x128xf32, #tpu.memory_space<vmem>>, vector<1x128xf32>
    %add3A = vector.broadcast %get3A_18 : vector<1x128xf32> to vector<1000x128xf32>
    %add3A_19 = arith.addf %dot_general3A_15, %add3A : vector<1000x128xf32>
    %add3A_20 = arith.addf %add3A_19, %mul3A_11 : vector<1000x128xf32>
    %swap3A = arith.constant 0 : index
    %swap3A_21 = arith.constant 0 : index
    %swap3A_22 = vector.load %arg7[%swap3A, %swap3A_21] : memref<1000x128xf32, #tpu.memory_space<vmem>>, vector<1000x128xf32>
    tpu.vector_store %arg7[%swap3A, %swap3A_21], %add3A_20 {strides = array<i32>} : memref<1000x128xf32, #tpu.memory_space<vmem>>, vector<1000x128xf32>,
    %get3A_23 = arith.constant 0 : index
    %get3A_24 = arith.constant 0 : index
    %get3A_25 = vector.load %arg4[%get3A_23, %get3A_24] : memref<128x128xf32, #tpu.memory_space<vmem>>, vector<128x128xf32>
    %dot_general3A_26 = arith.constant dense<0.000000e+00> : vector<1000x128xf32>
    %dot_general3A_27 = tpu.matmul %get3A_1, %get3A_25, %dot_general3A_26 {dimension_numbers = #tpu.dot_dimension_numbers<[1], [0], [0], [1], [0, 0, 1, 1], [], []>, transpose_lhs_hint = false} : vector<1000x128xf32>, vector<128x128xf32>, vector<1000x128xf32> -> vector<1000x128xf32>
    %add3A_28 = arith.addf %dot_general3A_27, %mul3A_11 : vector<1000x128xf32>
    %swap3A_29 = arith.constant 0 : index
    %swap3A_30 = arith.constant 0 : index
    %swap3A_31 = vector.load %arg8[%swap3A_29, %swap3A_30] : memref<1000x128xf32, #tpu.memory_space<vmem>>, vector<1000x128xf32>
    tpu.vector_store %arg8[%swap3A_29, %swap3A_30], %add3A_28 {strides = array<i32>} : memref<1000x128xf32, #tpu.memory_space<vmem>>, vector<1000x128xf32>,
    return
  }
  func.func @transform_0(%arg0: i32) -> (i32, i32) {
    %c0_i32 = arith.constant 0 : i32
    %c0_i32_0 = arith.constant 0 : i32
    return %arg0, %c0_i32 : i32, i32
  }
  func.func @transform_1(%arg0: i32) -> (i32, i32) {
    %c0_i32 = arith.constant 0 : i32
    %c0_i32_0 = arith.constant 0 : i32
    return %arg0, %c0_i32 : i32, i32
  }
  func.func @transform_2(%arg0: i32) -> (i32, i32) {
    %c0_i32 = arith.constant 0 : i32
    %c0_i32_0 = arith.constant 0 : i32
    %c0_i32_1 = arith.constant 0 : i32
    return %c0_i32, %c0_i32_0 : i32, i32
  }
  func.func @transform_3(%arg0: i32) -> (i32, i32) {
    %c0_i32 = arith.constant 0 : i32
    %c0_i32_0 = arith.constant 0 : i32
    %c0_i32_1 = arith.constant 0 : i32
    return %c0_i32, %c0_i32_0 : i32, i32
  }
  func.func @transform_4(%arg0: i32) -> (i32, i32) {
    %c0_i32 = arith.constant 0 : i32
    %c0_i32_0 = arith.constant 0 : i32
    %c0_i32_1 = arith.constant 0 : i32
    return %c0_i32, %c0_i32_0 : i32, i32
  }
  func.func @transform_5(%arg0: i32) -> (i32, i32) {
    %c0_i32 = arith.constant 0 : i32
    %c0_i32_0 = arith.constant 0 : i32
    %c0_i32_1 = arith.constant 0 : i32
    return %c0_i32, %c0_i32_0 : i32, i32
  }
  func.func @transform_6(%arg0: i32) -> (i32, i32) {
    %c0_i32 = arith.constant 0 : i32
    %c0_i32_0 = arith.constant 0 : i32
    return %arg0, %c0_i32 : i32, i32
  }
  func.func @transform_7(%arg0: i32) -> (i32, i32) {
    %c0_i32 = arith.constant 0 : i32
    %c0_i32_0 = arith.constant 0 : i32
    return %arg0, %c0_i32 : i32, i32
  }
}

module attributes {stable_mosaic.version = 14 : i64} {
  func.func @_edge_body(%arg0: i32, %arg1: memref<2560x128xf32, #tpu.memory_space<vmem>>, %arg2: memref<2560x128xf32, #tpu.memory_space<vmem>>, %arg3: memref<1x20x128xf32, #tpu.memory_space<vmem>>, %arg4: memref<2560x4xf32, #tpu.memory_space<vmem>>, %arg5: memref<4x128xf32, #tpu.memory_space<vmem>>, %arg6: memref<128x128xf32, #tpu.memory_space<vmem>>, %arg7: memref<1x128xf32, #tpu.memory_space<vmem>>, %arg8: memref<1x128xf32, #tpu.memory_space<vmem>>, %arg9: memref<2560x128xf32, #tpu.memory_space<vmem>>) attributes {dimension_semantics = [#tpu.dimension_semantics<arbitrary>], iteration_bounds = array<i64: 125>, scalar_prefetch = 0 : i64, scratch_operands = 0 : i64, tpu.core_type = #tpu.core_type<tc>, window_params = [{transform_indices = @transform_0, window_bounds = array<i64: 2560, 128>}, {transform_indices = @transform_1, window_bounds = array<i64: 2560, 128>}, {transform_indices = @transform_2, window_bounds = array<i64: 1, 20, 128>}, {transform_indices = @transform_3, window_bounds = array<i64: 2560, 4>}, {pipeline_mode = #tpu.pipeline_mode<synchronous>, transform_indices = @transform_4, window_bounds = array<i64: 4, 128>}, {pipeline_mode = #tpu.pipeline_mode<synchronous>, transform_indices = @transform_5, window_bounds = array<i64: 128, 128>}, {pipeline_mode = #tpu.pipeline_mode<synchronous>, transform_indices = @transform_6, window_bounds = array<i64: 1, 128>}, {pipeline_mode = #tpu.pipeline_mode<synchronous>, transform_indices = @transform_7, window_bounds = array<i64: 1, 128>}, {transform_indices = @transform_8, window_bounds = array<i64: 2560, 128>}]} {
    %get3A = arith.constant 0 : index
    %get3A_0 = arith.constant 0 : index
    %get3A_1 = arith.constant 0 : index
    %get3A_2 = vector.load %arg3[%get3A, %get3A_0, %get3A_1] : memref<1x20x128xf32, #tpu.memory_space<vmem>>, vector<1x20x128xf32>
    %get3A_3 = vector.shape_cast %get3A_2 : vector<1x20x128xf32> to vector<20x128xf32>
    %reshape3A = vector.shape_cast %get3A_3 : vector<20x128xf32> to vector<20x1x128xf32>
    %broadcast_in_dim3A = vector.shape_cast %reshape3A : vector<20x1x128xf32> to vector<20x1x128xf32>
    %broadcast_in_dim3A_4 = vector.broadcast %broadcast_in_dim3A : vector<20x1x128xf32> to vector<20x128x128xf32>
    %reshape3A_5 = vector.shape_cast %broadcast_in_dim3A_4 : vector<20x128x128xf32> to vector<2560x128xf32>
    %iota3A = tpu.iota {dimensions = array<i32: 1>} : vector<20x128x128xi32>
    %reshape3A_6 = vector.shape_cast %iota3A : vector<20x128x128xi32> to vector<2560x128xi32>
    %iota3A_7 = tpu.iota {dimensions = array<i32: 2>} : vector<20x128x128xi32>
    %reshape3A_8 = vector.shape_cast %iota3A_7 : vector<20x128x128xi32> to vector<2560x128xi32>
    %eq3A = arith.cmpi eq, %reshape3A_6, %reshape3A_8 : vector<2560x128xi32>
    %jit3A = arith.constant 0.000000e+00 : f32
    %broadcast_in_dim3A_9 = vector.broadcast %jit3A : f32 to vector<2560x128xf32>
    %select_n3A = arith.select %eq3A, %reshape3A_5, %broadcast_in_dim3A_9 : vector<2560x128xi1>, vector<2560x128xf32>
    %get3A_10 = arith.constant 0 : index
    %get3A_11 = arith.constant 0 : index
    %get3A_12 = vector.load %arg8[%get3A_10, %get3A_11] : memref<1x128xf32, #tpu.memory_space<vmem>>, vector<1x128xf32>
    %broadcast_in_dim3A_13 = vector.shape_cast %get3A_12 : vector<1x128xf32> to vector<1x128xf32>
    %broadcast_in_dim3A_14 = vector.broadcast %broadcast_in_dim3A_13 : vector<1x128xf32> to vector<128x128xf32>
    %get3A_15 = arith.constant 0 : index
    %get3A_16 = arith.constant 0 : index
    %get3A_17 = vector.load %arg1[%get3A_15, %get3A_16] : memref<2560x128xf32, #tpu.memory_space<vmem>>, vector<2560x128xf32>
    %get3A_18 = arith.constant 0 : index
    %get3A_19 = arith.constant 0 : index
    %get3A_20 = vector.load %arg2[%get3A_18, %get3A_19] : memref<2560x128xf32, #tpu.memory_space<vmem>>, vector<2560x128xf32>
    %add3A = arith.addf %get3A_17, %get3A_20 : vector<2560x128xf32>
    %dot_general3A = arith.constant dense<0.000000e+00> : vector<2560x128xf32>
    %dot_general3A_21 = tpu.matmul %select_n3A, %broadcast_in_dim3A_14, %dot_general3A {dimension_numbers = #tpu.dot_dimension_numbers<[1], [0], [0], [1], [0, 0, 1, 1], [], []>, transpose_lhs_hint = false} : vector<2560x128xf32>, vector<128x128xf32>, vector<2560x128xf32> -> vector<2560x128xf32>
    %add3A_22 = arith.addf %add3A, %dot_general3A_21 : vector<2560x128xf32>
    %get3A_23 = arith.constant 0 : index
    %get3A_24 = arith.constant 0 : index
    %get3A_25 = vector.load %arg4[%get3A_23, %get3A_24] : memref<2560x4xf32, #tpu.memory_space<vmem>>, vector<2560x4xf32>
    %get3A_26 = arith.constant 0 : index
    %get3A_27 = arith.constant 0 : index
    %get3A_28 = vector.load %arg5[%get3A_26, %get3A_27] : memref<4x128xf32, #tpu.memory_space<vmem>>, vector<4x128xf32>
    %dot_general3A_29 = arith.constant dense<0.000000e+00> : vector<2560x128xf32>
    %dot_general3A_30 = tpu.matmul %get3A_25, %get3A_28, %dot_general3A_29 {dimension_numbers = #tpu.dot_dimension_numbers<[1], [0], [0], [1], [0, 0, 1, 1], [], []>, transpose_lhs_hint = false} : vector<2560x4xf32>, vector<4x128xf32>, vector<2560x128xf32> -> vector<2560x128xf32>
    %add3A_31 = arith.addf %add3A_22, %dot_general3A_30 : vector<2560x128xf32>
    %logistic3A = arith.negf %add3A_31 : vector<2560x128xf32>
    %logistic3A_32 = math.exp %logistic3A : vector<2560x128xf32>
    %logistic3A_33 = arith.constant 1.000000e+00 : f32
    %logistic3A_34 = vector.broadcast %logistic3A_33 : f32 to vector<2560x128xf32>
    %logistic3A_35 = arith.addf %logistic3A_34, %logistic3A_32 : vector<2560x128xf32>
    %logistic3A_36 = arith.divf %logistic3A_34, %logistic3A_35 : vector<2560x128xf32>
    %mul3A = arith.mulf %add3A_31, %logistic3A_36 : vector<2560x128xf32>
    %get3A_37 = arith.constant 0 : index
    %get3A_38 = arith.constant 0 : index
    %get3A_39 = vector.load %arg6[%get3A_37, %get3A_38] : memref<128x128xf32, #tpu.memory_space<vmem>>, vector<128x128xf32>
    %dot_general3A_40 = arith.constant dense<0.000000e+00> : vector<2560x128xf32>
    %dot_general3A_41 = tpu.matmul %mul3A, %get3A_39, %dot_general3A_40 {dimension_numbers = #tpu.dot_dimension_numbers<[1], [0], [0], [1], [0, 0, 1, 1], [], []>, transpose_lhs_hint = false} : vector<2560x128xf32>, vector<128x128xf32>, vector<2560x128xf32> -> vector<2560x128xf32>
    %get3A_42 = arith.constant 0 : index
    %get3A_43 = arith.constant 0 : index
    %get3A_44 = vector.load %arg7[%get3A_42, %get3A_43] : memref<1x128xf32, #tpu.memory_space<vmem>>, vector<1x128xf32>
    %add3A_45 = vector.broadcast %get3A_44 : vector<1x128xf32> to vector<2560x128xf32>
    %add3A_46 = arith.addf %dot_general3A_41, %add3A_45 : vector<2560x128xf32>
    %logistic3A_47 = arith.negf %add3A_46 : vector<2560x128xf32>
    %logistic3A_48 = math.exp %logistic3A_47 : vector<2560x128xf32>
    %logistic3A_49 = arith.constant 1.000000e+00 : f32
    %logistic3A_50 = vector.broadcast %logistic3A_49 : f32 to vector<2560x128xf32>
    %logistic3A_51 = arith.addf %logistic3A_50, %logistic3A_48 : vector<2560x128xf32>
    %logistic3A_52 = arith.divf %logistic3A_50, %logistic3A_51 : vector<2560x128xf32>
    %mul3A_53 = arith.mulf %add3A_46, %logistic3A_52 : vector<2560x128xf32>
    %swap3A = arith.constant 0 : index
    %swap3A_54 = arith.constant 0 : index
    %swap3A_55 = vector.load %arg9[%swap3A, %swap3A_54] : memref<2560x128xf32, #tpu.memory_space<vmem>>, vector<2560x128xf32>
    tpu.vector_store %arg9[%swap3A, %swap3A_54], %mul3A_53 {strides = array<i32>} : memref<2560x128xf32, #tpu.memory_space<vmem>>, vector<2560x128xf32>,
    return
  }
  func.func @transform_0(%arg0: i32) -> (i32, i32) {
    %c0_i32 = arith.constant 0 : i32
    %c0_i32_0 = arith.constant 0 : i32
    return %arg0, %c0_i32 : i32, i32
  }
  func.func @transform_1(%arg0: i32) -> (i32, i32) {
    %c0_i32 = arith.constant 0 : i32
    %c0_i32_0 = arith.constant 0 : i32
    return %arg0, %c0_i32 : i32, i32
  }
  func.func @transform_2(%arg0: i32) -> (i32, i32, i32) {
    %c0_i32 = arith.constant 0 : i32
    %c0_i32_0 = arith.constant 0 : i32
    %c0_i32_1 = arith.constant 0 : i32
    return %arg0, %c0_i32, %c0_i32_0 : i32, i32, i32
  }
  func.func @transform_3(%arg0: i32) -> (i32, i32) {
    %c0_i32 = arith.constant 0 : i32
    %c0_i32_0 = arith.constant 0 : i32
    return %arg0, %c0_i32 : i32, i32
  }
  func.func @transform_4(%arg0: i32) -> (i32, i32) {
    %c0_i32 = arith.constant 0 : i32
    %c0_i32_0 = arith.constant 0 : i32
    %c0_i32_1 = arith.constant 0 : i32
    return %c0_i32, %c0_i32_0 : i32, i32
  }
  func.func @transform_5(%arg0: i32) -> (i32, i32) {
    %c0_i32 = arith.constant 0 : i32
    %c0_i32_0 = arith.constant 0 : i32
    %c0_i32_1 = arith.constant 0 : i32
    return %c0_i32, %c0_i32_0 : i32, i32
  }
  func.func @transform_6(%arg0: i32) -> (i32, i32) {
    %c0_i32 = arith.constant 0 : i32
    %c0_i32_0 = arith.constant 0 : i32
    %c0_i32_1 = arith.constant 0 : i32
    return %c0_i32, %c0_i32_0 : i32, i32
  }
  func.func @transform_7(%arg0: i32) -> (i32, i32) {
    %c0_i32 = arith.constant 0 : i32
    %c0_i32_0 = arith.constant 0 : i32
    %c0_i32_1 = arith.constant 0 : i32
    return %c0_i32, %c0_i32_0 : i32, i32
  }
  func.func @transform_8(%arg0: i32) -> (i32, i32) {
    %c0_i32 = arith.constant 0 : i32
    %c0_i32_0 = arith.constant 0 : i32
    return %arg0, %c0_i32 : i32, i32
  }
}

module attributes {stable_mosaic.version = 14 : i64} {
  func.func @_node_body(%arg0: i32, %arg1: memref<1000x128xf32, #tpu.memory_space<vmem>>, %arg2: memref<1000x128xf32, #tpu.memory_space<vmem>>, %arg3: memref<128x128xf32, #tpu.memory_space<vmem>>, %arg4: memref<128x128xf32, #tpu.memory_space<vmem>>, %arg5: memref<1x128xf32, #tpu.memory_space<vmem>>, %arg6: memref<128x128xf32, #tpu.memory_space<vmem>>, %arg7: memref<1x128xf32, #tpu.memory_space<vmem>>, %arg8: memref<1000x128xf32, #tpu.memory_space<vmem>>) attributes {dimension_semantics = [#tpu.dimension_semantics<arbitrary>], iteration_bounds = array<i64: 10>, scalar_prefetch = 0 : i64, scratch_operands = 0 : i64, tpu.core_type = #tpu.core_type<tc>, window_params = [{transform_indices = @transform_0, window_bounds = array<i64: 1000, 128>}, {transform_indices = @transform_1, window_bounds = array<i64: 1000, 128>}, {pipeline_mode = #tpu.pipeline_mode<synchronous>, transform_indices = @transform_2, window_bounds = array<i64: 128, 128>}, {pipeline_mode = #tpu.pipeline_mode<synchronous>, transform_indices = @transform_3, window_bounds = array<i64: 128, 128>}, {pipeline_mode = #tpu.pipeline_mode<synchronous>, transform_indices = @transform_4, window_bounds = array<i64: 1, 128>}, {pipeline_mode = #tpu.pipeline_mode<synchronous>, transform_indices = @transform_5, window_bounds = array<i64: 128, 128>}, {pipeline_mode = #tpu.pipeline_mode<synchronous>, transform_indices = @transform_6, window_bounds = array<i64: 1, 128>}, {transform_indices = @transform_7, window_bounds = array<i64: 1000, 128>}]} {
    %get3A = arith.constant 0 : index
    %get3A_0 = arith.constant 0 : index
    %get3A_1 = vector.load %arg1[%get3A, %get3A_0] : memref<1000x128xf32, #tpu.memory_space<vmem>>, vector<1000x128xf32>
    %get3A_2 = arith.constant 0 : index
    %get3A_3 = arith.constant 0 : index
    %get3A_4 = vector.load %arg2[%get3A_2, %get3A_3] : memref<1000x128xf32, #tpu.memory_space<vmem>>, vector<1000x128xf32>
    %get3A_5 = arith.constant 0 : index
    %get3A_6 = arith.constant 0 : index
    %get3A_7 = vector.load %arg3[%get3A_5, %get3A_6] : memref<128x128xf32, #tpu.memory_space<vmem>>, vector<128x128xf32>
    %dot_general3A = arith.constant dense<0.000000e+00> : vector<1000x128xf32>
    %dot_general3A_8 = tpu.matmul %get3A_1, %get3A_7, %dot_general3A {dimension_numbers = #tpu.dot_dimension_numbers<[1], [0], [0], [1], [0, 0, 1, 1], [], []>, transpose_lhs_hint = false} : vector<1000x128xf32>, vector<128x128xf32>, vector<1000x128xf32> -> vector<1000x128xf32>
    %get3A_9 = arith.constant 0 : index
    %get3A_10 = arith.constant 0 : index
    %get3A_11 = vector.load %arg4[%get3A_9, %get3A_10] : memref<128x128xf32, #tpu.memory_space<vmem>>, vector<128x128xf32>
    %dot_general3A_12 = arith.constant dense<0.000000e+00> : vector<1000x128xf32>
    %dot_general3A_13 = tpu.matmul %get3A_4, %get3A_11, %dot_general3A_12 {dimension_numbers = #tpu.dot_dimension_numbers<[1], [0], [0], [1], [0, 0, 1, 1], [], []>, transpose_lhs_hint = false} : vector<1000x128xf32>, vector<128x128xf32>, vector<1000x128xf32> -> vector<1000x128xf32>
    %add3A = arith.addf %dot_general3A_8, %dot_general3A_13 : vector<1000x128xf32>
    %get3A_14 = arith.constant 0 : index
    %get3A_15 = arith.constant 0 : index
    %get3A_16 = vector.load %arg5[%get3A_14, %get3A_15] : memref<1x128xf32, #tpu.memory_space<vmem>>, vector<1x128xf32>
    %add3A_17 = vector.broadcast %get3A_16 : vector<1x128xf32> to vector<1000x128xf32>
    %add3A_18 = arith.addf %add3A, %add3A_17 : vector<1000x128xf32>
    %logistic3A = arith.negf %add3A_18 : vector<1000x128xf32>
    %logistic3A_19 = math.exp %logistic3A : vector<1000x128xf32>
    %logistic3A_20 = arith.constant 1.000000e+00 : f32
    %logistic3A_21 = vector.broadcast %logistic3A_20 : f32 to vector<1000x128xf32>
    %logistic3A_22 = arith.addf %logistic3A_21, %logistic3A_19 : vector<1000x128xf32>
    %logistic3A_23 = arith.divf %logistic3A_21, %logistic3A_22 : vector<1000x128xf32>
    %mul3A = arith.mulf %add3A_18, %logistic3A_23 : vector<1000x128xf32>
    %get3A_24 = arith.constant 0 : index
    %get3A_25 = arith.constant 0 : index
    %get3A_26 = vector.load %arg6[%get3A_24, %get3A_25] : memref<128x128xf32, #tpu.memory_space<vmem>>, vector<128x128xf32>
    %dot_general3A_27 = arith.constant dense<0.000000e+00> : vector<1000x128xf32>
    %dot_general3A_28 = tpu.matmul %mul3A, %get3A_26, %dot_general3A_27 {dimension_numbers = #tpu.dot_dimension_numbers<[1], [0], [0], [1], [0, 0, 1, 1], [], []>, transpose_lhs_hint = false} : vector<1000x128xf32>, vector<128x128xf32>, vector<1000x128xf32> -> vector<1000x128xf32>
    %add3A_29 = arith.addf %get3A_1, %dot_general3A_28 : vector<1000x128xf32>
    %get3A_30 = arith.constant 0 : index
    %get3A_31 = arith.constant 0 : index
    %get3A_32 = vector.load %arg7[%get3A_30, %get3A_31] : memref<1x128xf32, #tpu.memory_space<vmem>>, vector<1x128xf32>
    %add3A_33 = vector.broadcast %get3A_32 : vector<1x128xf32> to vector<1000x128xf32>
    %add3A_34 = arith.addf %add3A_29, %add3A_33 : vector<1000x128xf32>
    %swap3A = arith.constant 0 : index
    %swap3A_35 = arith.constant 0 : index
    %swap3A_36 = vector.load %arg8[%swap3A, %swap3A_35] : memref<1000x128xf32, #tpu.memory_space<vmem>>, vector<1000x128xf32>
    tpu.vector_store %arg8[%swap3A, %swap3A_35], %add3A_34 {strides = array<i32>} : memref<1000x128xf32, #tpu.memory_space<vmem>>, vector<1000x128xf32>,
    return
  }
  func.func @transform_0(%arg0: i32) -> (i32, i32) {
    %c0_i32 = arith.constant 0 : i32
    %c0_i32_0 = arith.constant 0 : i32
    return %arg0, %c0_i32 : i32, i32
  }
  func.func @transform_1(%arg0: i32) -> (i32, i32) {
    %c0_i32 = arith.constant 0 : i32
    %c0_i32_0 = arith.constant 0 : i32
    return %arg0, %c0_i32 : i32, i32
  }
  func.func @transform_2(%arg0: i32) -> (i32, i32) {
    %c0_i32 = arith.constant 0 : i32
    %c0_i32_0 = arith.constant 0 : i32
    %c0_i32_1 = arith.constant 0 : i32
    return %c0_i32, %c0_i32_0 : i32, i32
  }
  func.func @transform_3(%arg0: i32) -> (i32, i32) {
    %c0_i32 = arith.constant 0 : i32
    %c0_i32_0 = arith.constant 0 : i32
    %c0_i32_1 = arith.constant 0 : i32
    return %c0_i32, %c0_i32_0 : i32, i32
  }
  func.func @transform_4(%arg0: i32) -> (i32, i32) {
    %c0_i32 = arith.constant 0 : i32
    %c0_i32_0 = arith.constant 0 : i32
    %c0_i32_1 = arith.constant 0 : i32
    return %c0_i32, %c0_i32_0 : i32, i32
  }
  func.func @transform_5(%arg0: i32) -> (i32, i32) {
    %c0_i32 = arith.constant 0 : i32
    %c0_i32_0 = arith.constant 0 : i32
    %c0_i32_1 = arith.constant 0 : i32
    return %c0_i32, %c0_i32_0 : i32, i32
  }
  func.func @transform_6(%arg0: i32) -> (i32, i32) {
    %c0_i32 = arith.constant 0 : i32
    %c0_i32_0 = arith.constant 0 : i32
    %c0_i32_1 = arith.constant 0 : i32
    return %c0_i32, %c0_i32_0 : i32, i32
  }
  func.func @transform_7(%arg0: i32) -> (i32, i32) {
    %c0_i32 = arith.constant 0 : i32
    %c0_i32_0 = arith.constant 0 : i32
    return %arg0, %c0_i32 : i32, i32
  }
}

</mosaic_0001>

<sc_bundles>
// kernel: kernel.10.cloned.1.call-start
scs
__scs_entry_jumppad:
0x0: {  	(pc) =	sbr.rel $0x88, $3  }
0x1: {  	(tag) =	ssettag $0x0;
	lr =	simm.s32 $0x1  }
0x2: {  	[smem:$0x3F95] =	sst lr;
	_ =	strace $0xD0000000  }
0x3: {  	_ = 	snop  }
0x4: {  	_ = 	snop  }
0x5: {  	_ = 	snop  }
0x6: {  	_ = 	snop  }
0x7: {  	_ = 	snop  }
__scs_overlays_trampoline_lowered:
0x8: {  	[smem:$0x3FA4] =	sst s0  }
0x9: {  	[smem:$0x3FA5] =	sst s1  }
0xa: {  	[smem:$0x3FA6] =	sst s2  }
0xb: {  	[smem:$0x3FA7] =	sst s3  }
0xc: {  	[smem:$0x3FA8] =	sst s4  }
0xd: {  	[smem:$0x3FA9] =	sst s5  }
0xe: {  	[smem:$0x3FAA] =	sst s6  }
0xf: {  	[smem:$0x3FAB] =	sst s7  }
0x10: {  	[smem:$0x3FAC] =	sst s8  }
0x11: {  	[smem:$0x3FAD] =	sst s9;
	s0 =	simm.s32 @!p0 $0x0  }
0x12: {  	s1 =	sld [smem:$0x3F93];
	s0 =	simm.s32 @p0 $0x1  }
0x13: {  	[smem:$0x3FAE] =	sst s0;
	s0 =	simm.s32 @!p1 $0x0  }
0x14: {  	s2 =	sld [smem:$0x3F92];
	s0 =	simm.s32 @p1 $0x1  }
0x15: {  	[smem:$0x3FAF] =	sst s0;
	s0 =	simm.s32 @!p2 $0x0  }
0x16: {  	s3 =	sld [smem:$0x3FDB];
	s0 =	simm.s32 @p2 $0x1  }
0x17: {  	s4 =	simm.s32 $0x1BF5;
	[smem:$0x3FB1] =	sst s0  }
0x18: {  	s0 =	sld [smem:$0x3F94];
	_ =	swait.ge [sflag:s4], $0x0  }
0x19: {  	s7 =	sld [smem:$0x3F95]  }
0x1a: {  	s8 =	sadd.s32 $0xFFFFE003, lr  }
0x1b: {  	s9 =	sadd.s32 $0xFFFFFEF7, lr;
	s5 =	simm.s32 $0xFFFFFFFF;
	p2 =	slt.u32 s8, $0xFFFFF086  }
0x1c: {  	p1 =	slt.u32 s9, $0xF7A;
	s5 =	simm.s32 @!p2 $0x0  }
0x1d: {  	s5 =	simm.s32 @p1 $0x1;
	p0 =	seq.s32 s7, s2  }
0x1e: {  	s7 =	smul.u32 @!p0 $0xF7A, s2;
	p2 =	seq.s32 @!p0 s5, $0x0  }
0x1f: {  	s9 =	smul.u32 $0xF7A, s1;
	s8 =	simm.s32 @!p0 $0x1BF5;
	p2 =	por !p2, p0  }
0x20: {  	[sflag:s8] =	ssyncset.s32 @!p0 $0xFFFFF086;
	s6 =	sadd.s32 @!p0 s3, s7;
	s7 =	simm.s32 @!p0 $0x108  }
0x21: {  	s3 =	sadd.s32 s3, s9;
	s6 =	sadd.s32 @!p0 $0x88, s6;
	s7 =	simm.s32 @p2 $0x1082  }
0x22: {  	[simem:s7], [sflag:s8] =	dma.local @!p0 [hbm:s6], $0xF7A  }
0x23: {  	s9 =	sor.u32 $0xD0000000, s2;
	s6 =	simm.s32 $0x108;
	_ =	swait.ge @!p0 [sflag:s8], $0x0  }
0x24: {  	s3 =	sadd.s32 $0x88, s3;
	s6 =	simm.s32 @!p1 $0x1082;
	[sflag:s4] =	ssyncset.s32 $0xFFFFF086  }
0x25: {  	[simem:s6], [sflag:s4] =	dma.local [hbm:s3], $0xF7A  }
0x26: {  	[smem:$0x3F95] =	sst s1;
	(tag) =	ssettag s2;
	_ =	strace s9  }
0x27: {  	s1 =	sld [smem:$0x3FA5]  }
0x28: {  	s2 =	sld [smem:$0x3FA6]  }
0x29: {  	s4 =	sld [smem:$0x3FA8]  }
0x2a: {  	p0 =	seq.s32 s5, $0x0;
	s5 =	sld [smem:$0x3FA9]  }
0x2b: {  	s6 =	sld [smem:$0x3FAA]  }
0x2c: {  	s7 =	sld [smem:$0x3FAB]  }
0x2d: {  	s3 =	simm.s32 $0x108;
	s8 =	sld [smem:$0x3FAC]  }
0x2e: {  	s3 =	simm.s32 @!p0 $0x1082;
	s9 =	sld [smem:$0x3FAD]  }
0x2f: {  	lr =	sadd.s32 s0, s3;
	s0 =	sld [smem:$0x3FA4]  }
0x30: {  	s3 =	sld [smem:$0x3FA7]  }
0x31: {  	[smem:$0x3FB0] =	sst s10  }
0x32: {  	s10 =	sld [smem:$0x3FAE];
	_ =	sdelay $0x3  }
0x33: {  	p0 =	seq.s32 s10, $0x1;
	s10 =	sld [smem:$0x3FB0];
	_ =	sdelay $0x3  }
0x34: {  	[smem:$0x3FB0] =	sst s10  }
0x35: {  	s10 =	sld [smem:$0x3FAF];
	_ =	sdelay $0x3  }
0x36: {  	p1 =	seq.s32 s10, $0x1;
	s10 =	sld [smem:$0x3FB0];
	_ =	sdelay $0x3  }
0x37: {  	[smem:$0x3FB0] =	sst s10  }
0x38: {  	s10 =	sld [smem:$0x3FB1]  }
0x39: {  	_ = 	snop;
	(pc) =	sbr.ind lr, $3  }
0x3a: {  	_ = 	snop  }
0x3b: {  	_ = 	snop  }
0x3c: {  	p2 =	seq.s32 s10, $0x1;
	s10 =	sld [smem:$0x3FB0]  }
0x3d: {  	_ =	shalt  }
0x3e: {  	_ =	shalt  }
0x3f: {  	_ =	shalt  }
0x40: {  	_ =	shalt  }
0x41: {  	_ =	shalt  }
0x42: {  	_ =	shalt  }
0x43: {  	_ =	shalt  }
0x44: {  	_ =	shalt  }
0x45: {  	_ =	shalt  }
0x46: {  	_ =	shalt  }
0x47: {  	_ =	shalt  }
0x48: {  	_ =	shalt  }
0x49: {  	_ =	shalt  }
0x4a: {  	_ =	shalt  }
0x4b: {  	_ =	shalt  }
0x4c: {  	_ =	shalt  }
0x4d: {  	_ =	shalt  }
0x4e: {  	_ =	shalt  }
0x4f: {  	_ =	shalt  }
0x50: {  	_ =	shalt  }
0x51: {  	_ =	shalt  }
0x52: {  	_ =	shalt  }
0x53: {  	_ =	shalt  }
0x54: {  	_ =	shalt  }
0x55: {  	_ =	shalt  }
0x56: {  	_ =	shalt  }
0x57: {  	_ =	shalt  }
0x58: {  	_ =	shalt  }
0x59: {  	_ =	shalt  }
0x5a: {  	_ =	shalt  }
0x5b: {  	_ =	shalt  }
0x5c: {  	_ =	shalt  }
0x5d: {  	_ =	shalt  }
0x5e: {  	_ =	shalt  }
0x5f: {  	_ =	shalt  }
0x60: {  	_ =	shalt  }
0x61: {  	_ =	shalt  }
0x62: {  	_ =	shalt  }
0x63: {  	_ =	shalt  }
0x64: {  	_ =	shalt  }
0x65: {  	_ =	shalt  }
0x66: {  	_ =	shalt  }
0x67: {  	_ =	shalt  }
0x68: {  	_ =	shalt  }
0x69: {  	_ =	shalt  }
0x6a: {  	_ =	shalt  }
0x6b: {  	_ =	shalt  }
0x6c: {  	_ =	shalt  }
0x6d: {  	_ =	shalt  }
0x6e: {  	_ =	shalt  }
0x6f: {  	_ =	shalt  }
0x70: {  	_ =	shalt  }
0x71: {  	_ =	shalt  }
0x72: {  	_ =	shalt  }
0x73: {  	_ =	shalt  }
0x74: {  	_ =	shalt  }
0x75: {  	_ =	shalt  }
0x76: {  	_ =	shalt  }
0x77: {  	_ =	shalt  }
0x78: {  	_ =	shalt  }
0x79: {  	_ =	shalt  }
0x7a: {  	_ =	shalt  }
0x7b: {  	_ =	shalt  }
0x7c: {  	_ =	shalt  }
0x7d: {  	_ =	shalt  }
0x7e: {  	_ =	shalt  }
0x7f: {  	_ =	shalt  }
0x80: {  	_ =	shalt  }
0x81: {  	_ =	shalt  }
0x82: {  	_ =	shalt  }
0x83: {  	_ =	shalt  }
0x84: {  	_ =	shalt  }
0x85: {  	_ =	shalt  }
0x86: {  	_ =	shalt  }
0x87: {  	_ =	shalt  }
.Lfunc_end0:
.L_simem_size_0:
called_computation.1_lowered:
.L_overlay_start_0:
0x88: {  	s2 =	sld [smem:$0x3FD9]  }
0x89: {  	s3 =	sld [smem:$0x3FFE];
	_ =	sdelay $0x1  }
0x8a: {  	s1 =	srdreg.scid  }
0x8b: {  	s0 =	sand.u32 $0x1, s1  }
0x8c: {  	s14 =	sshll.u32 s0, $0xA;
	s2 =	sadd.s32 s3, s2  }
0x8d: {  	s2 =	sadd.s32 s2, s14  }
0x8e: {  	[smem:$0x3FBC] =	sst s2  }
0x8f: {  	_ = 	snop  }
0x90: {  	s2 =	sld [smem:$0x3FD0];
	_ =	sdelay $0x2  }
0x91: {  	s15 =	simm.s32 $0xA;
	s4 =	simm.s32 $0x10  }
0x92: {  	[smem:s4], [sflag:s15] =	dma.local [hbm:s2], $0x1  }
0x93: {  	_ =	swait.eq [sflag:s15], $0x1  }
0x94: {  	[sflag:s15] =	ssyncset.done $0x0  }
0x95: {  	[sflag:s15] =	ssyncadd.s32 $0xFFFFFFFF  }
0x96: {  	s16 =	sld [smem:$0x10];
	(tm) =	ssettm $0x1  }
0x97: {  	s17 =	sld [smem:$0x3FFB];
	_ =	sdelay $0x3  }
0x98: {  	_ =	strace s17  }
0x99: {  	s3 =	sld [smem:$0x3FFC];
	_ =	sdelay $0x3  }
0x9a: {  	_ =	strace s3  }
0x9b: {  	s3 =	sld [smem:$0x3FFD];
	_ =	sdelay $0x3  }
0x9c: {  	_ =	strace s3  }
0x9d: {  	_ =	strace $0x8FFFFFFF  }
0x9e: {  	s18 =	sld [smem:$0x3FDB];
	_ =	sdelay $0x1  }
0x9f: {  	s19 =	simm.s32 $_scs_section_size  }
0xa0: {  	s5 =	simm.s32 $_size__tile_overlayer_lowered;
	s6 =	simm.s32 $_tile_overlayer_lowered  }
0xa1: {  	s22 =	simm.s32 $0x1BFF;
	s21 =	sshll.u32 s6, $0x1;
	s3 =	sadd.s32 s19, s18  }
0xa2: {  	s7 =	simm.s32 $0x0;
	s20 =	sshll.u32 s5, $0x1;
	s5 =	sadd.s32 s21, s3  }
0xa3: {  	[timem:s7], [sflag:s22] =	dma.local [hbm:s5], s20  }
0xa4: {  	_ =	swait.ge [sflag:s22], s20  }
0xa5: {  	s4 =	ssub.s32 $0x0, s20;
	[sflag:s22] =	ssyncset.done $0x0  }
0xa6: {  	[sflag:s22] =	ssyncadd.s32 s4;
	_ =	sdelay $0x1  }
0xa7: {  	s23 =	simm.s32 $0x1B8B  }
0xa8: {  	_ =	swait.ge [sflag:s23], $0x1  }
0xa9: {  	[sflag:s23] =	ssyncset.done $0x0  }
0xaa: {  	s25 =	simm.s32 $0x1B8E;
	s24 =	sld [smem:$0x3FFE];
	[sflag:s23] =	ssyncadd.s32 $0xFFFFFFFF  }
0xab: {  	s26 =	simm.s32 $execute0_lowered;
	[smem:$0x3FD2] =	sst s25  }
0xac: {  	s5 =	sshll.u32 s26, $0x1;
	_ =	strace $0x80000049;
	[dreg:$0x1] =	wrdreg $0xFFFFFFFF  }
0xad: {  	s28 =	simm.s32 $_size_execute0_lowered;
	s3 =	sadd.s32 s3, s5;
	[dreg:$0x0] =	wrdreg $0x0  }
0xae: {  	s5 =	sshll.u32 s28, $0x1;
	[dreg:$0x2] =	wrdreg s3  }
0xaf: {  	[dreg:$0x3] =	wrdreg s5  }
0xb0: {  	[dreg:$0x4] =	wrdreg $0xC0  }
0xb1: {  	_ =	task [dreg:s7], $0x5FFFF  }
0xb2: {  	[dreg:$0x1] =	wrdreg $0xFFFFFFFF  }
0xb3: {  	[dreg:$0x0] =	wrdreg $0x60  }
0xb4: {  	[dreg:$0x2] =	wrdreg s24  }
0xb5: {  	[dreg:$0x3] =	wrdreg s16  }
0xb6: {  	[dreg:$0x4] =	wrdreg $0xF2000  }
0xb7: {  	[dreg:$0x5] =	wrdreg $0x9  }
0xb8: {  	_ =	task.clear_ibuf [dreg:s7], $0x6FFFF;
	_ =	strace $0x90000049  }
0xb9: {  	s29 =	simm.s32 $0x9;
	_ =	strace $0x8000004B  }
0xba: {  	_ =	swait.ge [sflag:s29], $0x1  }
0xbb: {  	[sflag:s29] =	ssyncadd.s32 $0xFFFFFFFF  }
0xbc: {  	_ =	strace $0x9000004B  }
0xbd: {  	_ =	sfence  }
0xbe: {  	s30 =	sld [smem:$0x0];
	_ =	sdelay $0x2  }
0xbf: {  	s31 =	sshll.u32 s1, $0xD;
	s1 =	sshrl.u32 s1, $0x2  }
0xc0: {  	s3 =	sand.u32 $0x4000, s31;
	s1 =	sadd.s32 s1, s30  }
0xc1: {  	s0 =	sor.u32 s3, s0;
	s1 =	sshll.u32 s1, $0x11  }
0xc2: {  	s0 =	sor.u32 s1, s0  }
0xc3: {  	s0 =	sadd.s32 $0x8F2B, s0  }
0xc4: {  	[sflag:s0] =	ssyncadd.remote.s32 $0x1  }
0xc5: {  	_ =	sfence.sel $0xFFFF  }
0xc6: {  	[dreg:$0x0] =	wrdreg $0xFFFFFFFF;
	(pc) =	sbr.abs _section_cstart, $3  }
0xc7: {  	[dreg:$0x1] =	wrdreg $0xFFFFFFFF  }
0xc8: {  	_ =	task.clear_ibuf [dreg:s7], $0x2FFFF;
	_ =	strace $0x9FFFFFFF  }
0xc9: {  	(tm) =	ssettm $0x7FFFFFFF  }
tec
execute0_lowered:
.L_overlay_start_1:
0x0: {  	(tag) =	ssettag $0x1  }
0x1: {  	s5 =	rddreg [dreg:$0x0]  }
0x2: {  	s2 =	rddreg [dreg:$0x1]  }
0x3: {  	s3 =	rddreg [dreg:$0x2]  }
0x4: {  	s0 =	rddreg [dreg:$0x3]  }
0x5: {  	s1 =	stileid.u32;
	s4 =	simm.s32 $0x0;
	s7 =	srdreg.scid  }
0x6: {  	s15 =	simm.s32 $0x50;
	s16 =	simm.s32 $0x100;
	s6 =	smul.u32 $0x4E200, s1  }
0x7: {  	s17 =	simm.s32 $0x80;
	s18 =	simm.s32 $0x2A00;
	s11 =	smul.u32 $0x29000, s1  }
0x8: {  	s19 =	simm.s32 $0x2;
	s20 =	simm.s32 $0x180;
	s26 =	smul.u32 $0x4E20, s1  }
0x9: {  	s21 =	simm.s32 $0x3;
	s22 =	simm.s32 $0x4;
	s13 =	smul.u32 $0x28000, s1  }
0xa: {  	[smem:$0x7FF] =	sst s4;
	s7 =	sand.u32 $0x1, s7;
	s14 =	smul.u32 $0x9C4, s1  }
0xb: {  	s9 =	sadd.s32 $0xD000, s5;
	s29 =	sshll.u32 s1, $0x6;
	s24 =	smul.u32 $0x14000, s7  }
0xc: {  	_ =	strace $0x8000004A;
	s10 =	ssub.s32 $0x2, s7;
	s23 =	smul.u32 $0x1400, s7  }
0xd: {  	s8 =	sadd.s32 s6, s5;
	s25 =	sshrl.u32 s10, $0x1;
	s28 =	sshrl.u32 s11, $0x2  }
0xe: {  	s6 =	sshrl.u32 s26, $0x3;
	s30 =	sshrl.u32 s13, $0x2;
	s31 =	sadd.s32 s14, s9  }
0xf: {  	s13 =	simm.s32 $0x200;
	s14 =	simm.s32 $0x1;
	s12 =	sadd.s32 s24, s5  }
0x10: {  	s10 =	ssub.s32 s10, s25;
	s11 =	sadd.s32 s28, s3;
	s5 =	sor.u32 $0x1C05, s29  }
0x11: {  	s6 =	sadd.s32 s9, s6;
	s7 =	sadd.s32 $0xEEDE00, s8;
	s8 =	sadd.s32 s30, s3  }
0x12: {  	s25 =	smul.u32 $0x1400, s1;
	v0 =	vmov s23;
	s23 =	simm.s32 $0x5200;
	s24 =	sadd.s32 $0x16E00, s12  }
0x13: {  	s9 =	smax.u32 s10, $0x1;
	s10 =	sadd.s32 $0x14, s31;
	s11 =	sshrl.u32 s11, $0x3  }
0x14: {  	s12 =	simm.s32 $0x5;
	s24 =	sadd.s32 s25, s24;
	s25 =	simm.s32 $0x0  }
.LBB2_1:
0x15: {  	[spmem:s11], [sflag:s5] =	dma.local [hbm:s2], $0x1480  }
0x16: {  	_ =	swait.ge [sflag:s12], $0x1480  }
0x17: {  	[sflag:s12] =	ssyncset.done $0x0  }
0x18: {  	[sflag:s12] =	ssyncadd.s32 $0xFFFFEB80  }
0x19: {  	[tilespmem:s4], [sflag:$0x1] =	stream.linear.gather [hbm4b:s6+s4], $0x50, $0x38;
	[tilespmem:$0x19600] =	vst v63  }
0x1a: {  	_ = 	snop  }
0x1b: {  	[tilespmem:s13], [sflag:$0x1] =	stream.linear.gather [hbm4b:s7+s4], $0x2800, $0x38;
	[tilespmem:$0x19600] =	vst v63  }
0x1c: {  	s26 =	smov.u32 s10;
	s28 =	simm.s32 $0x0;
	[bflag:$0x0] =	sbarrier.arrive $0xFFFF  }
.LBB2_2:
0x1d: {  	_ =	swait.ge [sflag:s14], $0x50  }
0x1e: {  	[sflag:s14] =	ssyncset.done $0x0  }
0x1f: {  	[sflag:s14] =	ssyncadd.s32 $0xFFFFFFB0  }
0x20: {  	_ =	swait.ge [sflag:s14], $0x2800  }
0x21: {  	[sflag:s14] =	ssyncset.done $0x0  }
0x22: {  	[sflag:s14] =	ssyncadd.s32 $0xFFFFD800  }
0x23: {  	v1 =	vld [tilespmem:$0x0]  }
0x24: {  	v2 =	vld [tilespmem:$0x10]  }
0x25: {  	v3 =	vld [tilespmem:$0x20]  }
0x26: {  	v5 =	vld [tilespmem:$0x30]  }
0x27: {  	v7 =	vld [tilespmem:$0x40];
	_ =	sdelay $0x2  }
0x28: {  	v4 =	vsub.s32 v1, v0;
	v1 =	vand.u32 $0x7F, v1;
	v6 =	vsub.s32 v2, v0  }
0x29: {  	v2 =	vand.u32 $0x7F, v2;
	v54 =	vsub.s32 v3, v0;
	v3 =	vand.u32 $0x7F, v3  }
0x2a: {  	v55 =	vsub.s32 v5, v0;
	v56 =	vand.u32 $0x7F, v7;
	vm0 =	vlt.u32 v4, $0x1400  }
0x2b: {  	v1 =	vor.u32 $0x1400, v1;
	vm7 =	vlt.u32 v6, $0x1400;
	v2 =	vor.u32 $0x1400, v2  }
0x2c: {  	vm8 =	vlt.u32 v54, $0x1400;
	v3 =	vor.u32 $0x1400, v3;
	v1 =	vsel vm0, v4, v1  }
0x2d: {  	v2 =	vsel vm7, v6, v2;
	[tilespmem:$0x100] =	vst v1;
	v1 =	vsel vm8, v54, v3;
	v3 =	vand.u32 $0x7F, v5  }
0x2e: {  	vm9 =	vlt.u32 v55, $0x1400;
	[tilespmem:$0x110] =	vst v2;
	v2 =	vor.u32 $0x1400, v3;
	v3 =	vsub.s32 v7, v0  }
0x2f: {  	[tilespmem:$0x120] =	vst v1;
	v1 =	vsel vm9, v55, v2;
	vm10 =	vlt.u32 v3, $0x1400;
	v2 =	vor.u32 $0x1400, v56  }
0x30: {  	p0 =	seq.s32 s28, $0x0;
	[tilespmem:$0x130] =	vst v1;
	v1 =	vsel vm10, v3, v2  }
0x31: {  	s29 =	simm.s32 @!p0 $0x4;
	[tilespmem:$0x140] =	vst v1  }
0x32: {  	[spmem:s3] =	stream.indirect.scatter.add.f32 [tilespmem:s13], [sflag:$0x3], $0x80, s16, s15, $0xb8;
	[tilespmem:$0x19600] =	vst v63  }
0x33: {  	_ =	swait.ge @!p0 [sflag:s29], $0x2800  }
0x34: {  	[sflag:s29] =	ssyncset.done @!p0 $0x0  }
0x35: {  	s30 =	sadd.s32 $0xFFFFFFF6, s26;
	s31 =	sadd.s32 s28, s7;
	[sflag:s29] =	ssyncadd.s32 @!p0 $0xFFFFD800  }
0x36: {  	[tilespmem:s17], [sflag:$0x2] =	stream.linear.gather [hbm4b:s30+s4], $0x50, $0x38;
	[tilespmem:$0x19600] =	vst v63  }
0x37: {  	s29 =	sadd.s32 $0x500, s31  }
0x38: {  	[tilespmem:s18], [sflag:$0x2] =	stream.linear.gather [hbm4b:s29+s4], $0x2800, $0x38;
	[tilespmem:$0x19600] =	vst v63  }
0x39: {  	_ =	swait.ge [sflag:s19], $0x50  }
0x3a: {  	[sflag:s19] =	ssyncset.done $0x0  }
0x3b: {  	[sflag:s19] =	ssyncadd.s32 $0xFFFFFFB0  }
0x3c: {  	_ =	swait.ge [sflag:s19], $0x2800  }
0x3d: {  	[sflag:s19] =	ssyncset.done $0x0  }
0x3e: {  	[sflag:s19] =	ssyncadd.s32 $0xFFFFD800  }
0x3f: {  	v1 =	vld [tilespmem:$0x80]  }
0x40: {  	v2 =	vld [tilespmem:$0x90]  }
0x41: {  	v3 =	vld [tilespmem:$0xA0]  }
0x42: {  	v58 =	vld [tilespmem:$0xB0]  }
0x43: {  	v60 =	vld [tilespmem:$0xC0];
	_ =	sdelay $0x2  }
0x44: {  	v57 =	vsub.s32 v1, v0;
	v1 =	vand.u32 $0x7F, v1;
	v59 =	vsub.s32 v2, v0  }
0x45: {  	v2 =	vand.u32 $0x7F, v2;
	v61 =	vsub.s32 v3, v0;
	v3 =	vand.u32 $0x7F, v3  }
0x46: {  	v62 =	vsub.s32 v58, v0;
	v63 =	vand.u32 $0x7F, v60;
	vm11 =	vlt.u32 v57, $0x1400  }
0x47: {  	v1 =	vor.u32 $0x1400, v1;
	vm12 =	vlt.u32 v59, $0x1400;
	v2 =	vor.u32 $0x1400, v2  }
0x48: {  	vm13 =	vlt.u32 v61, $0x1400;
	v3 =	vor.u32 $0x1400, v3;
	v1 =	vsel vm11, v57, v1  }
0x49: {  	v2 =	vsel vm12, v59, v2;
	[tilespmem:$0x180] =	vst v1;
	v1 =	vsel vm13, v61, v3;
	v3 =	vand.u32 $0x7F, v58  }
0x4a: {  	vm14 =	vlt.u32 v62, $0x1400;
	[tilespmem:$0x190] =	vst v2;
	v2 =	vor.u32 $0x1400, v3;
	v3 =	vsub.s32 v60, v0  }
0x4b: {  	p0 =	seq.s32 s28, $0x4D800;
	[tilespmem:$0x1A0] =	vst v1;
	v1 =	vsel vm14, v62, v2;
	vm15 =	vlt.u32 v3, $0x1400;
	v2 =	vor.u32 $0x1400, v63  }
0x4c: {  	s30 =	sadd.s32 @!p0 s28, s7;
	s28 =	sadd.s32 @!p0 $0xA00, s28;
	[tilespmem:$0x1B0] =	vst v1;
	v1 =	vsel vm15, v3, v2  }
0x4d: {  	p1 =	sne.s32 @!p0 s28, $0x4E200;
	[tilespmem:$0x1C0] =	vst v1  }
0x4e: {  	[spmem:s3] =	stream.indirect.scatter.add.f32 [tilespmem:s18], [sflag:$0x4], $0x80, s20, s15, $0xb8;
	[tilespmem:$0x19600] =	vst v63  }
0x4f: {  	p1 =	por p0, !p1;
	_ =	swait.ge [sflag:s21], $0x2800  }
.Ltmp0:
0x50: {  	[sflag:s21] =	ssyncset.done $0x0;
	(pc) =	sbr.rel @!p1 .LBB2_2-.Ltmp0, $4  }
0x51: {  	s29 =	simm.s32 @!p0 $0x0;
	[sflag:s21] =	ssyncadd.s32 $0xFFFFD800  }
0x52: {  	[tilespmem:s29], [sflag:$0x1] =	stream.linear.gather @!p0 [hbm4b:s26+s29], $0x50, $0x38;
	[tilespmem:$0x19600] =	vst v63  }
0x53: {  	s31 =	simm.s32 @!p0 $0x200;
	s30 =	sadd.s32 @!p0 $0xA00, s30;
	s26 =	sadd.s32 @!p0 $0x14, s26  }
0x54: {  	[tilespmem:s31], [sflag:$0x1] =	stream.linear.gather @!p0 [hbm4b:s30+s29], $0x2800, $0x38;
	[tilespmem:$0x19600] =	vst v63  }
0x55: {  	_ =	swait.ge [sflag:s22], $0x2800  }
0x56: {  	[sflag:s22] =	ssyncset.done $0x0  }
0x57: {  	[sflag:s22] =	ssyncadd.s32 $0xFFFFD800  }
0x58: {  	[bflag:$0x0] =	sbarrier.arrive $0xFFFF  }
0x59: {  	[tilespmem:s23], [sflag:$0x5] =	stream.linear.gather [spmem:s8], $0xA000, $0x38;
	[tilespmem:$0x19600] =	vst v63  }
0x5a: {  	s25 =	sadd.s32 $0x1, s25;
	_ =	swait.ge [sflag:s12], $0xA000  }
0x5b: {  	p0 =	sne.s32 s25, s9;
	[sflag:s12] =	ssyncset.done $0x0  }
.Ltmp1:
0x5c: {  	[sflag:s12] =	ssyncadd.s32 $0xFFFF6000;
	(pc) =	sbr.rel @p0 .LBB2_1-.Ltmp1, $4  }
0x5d: {  	[hbm4b:s24+s4] =	stream.linear.scatter [tilespmem:s23], [sflag:$0x5], $0xA000, $0x38;
	[tilespmem:$0x19600] =	vst v63  }
0x5e: {  	_ =	swait.ge [sflag:s12], $0xA000  }
0x5f: {  	[sflag:s12] =	ssyncset.done $0x0  }
0x60: {  	[sflag:s12] =	ssyncadd.s32 $0xFFFF6000  }
0x61: {  	_ =	sfence.sel $0x180000  }
0x62: {  	[bflag:$0x0] =	sbarrier.arrive $0xFFFF  }
0x63: {  	p0 =	sne.s32 s1, $0x0;
	_ =	strace $0x9000004A  }
0x64: {  	s0 =	sadd.s32 @!p0 $0x100000, s0;
	[bflag:$0x2] =	sbarrier.arrive $0xFFFF  }
0x65: {  	[sflag:s0] =	ssyncadd.tile.s32 @!p0 $0x1;
	_ =	shalt  }
.Lfunc_end2:
_tile_overlayer_lowered:
.L_overlay_start_2:
0x66: {  	(tag) =	ssettag $0x2  }
0x67: {  	s0 =	rddreg [dreg:$0x0];
	s2 =	stileid.u32  }
0x68: {  	s1 =	rddreg [dreg:$0x1];
	p0 =	sne.s32 s2, $0x0  }
0x69: {  	s3 =	rddreg [dreg:$0x2];
	[bflag:$0x3] =	sbarrier.arrive $0xFFFF;
	s2 =	simm.s32 @!p0 $0x1C05  }
0x6a: {  	[timem:s3], [sflag:s2] =	dma.local @!p0 [hbm:s0], s1  }
0x6b: {  	s0 =	simm.s32 @!p0 $0x5  }
0x6c: {  	_ =	swait.ge @!p0 [sflag:s0], s1  }
0x6d: {  	s1 =	ssub.s32 @!p0 $0x0, s1;
	[sflag:s0] =	ssyncset.done @!p0 $0x0  }
0x6e: {  	[sflag:s0] =	ssyncadd.s32 @!p0 s1  }
0x6f: {  	[bflag:$0x3] =	sbarrier.arrive $0xFFFF  }
0x70: {  	_ =	shalt  }

// kernel: kernel.7.cloned.1.call-start
scs
__scs_entry_jumppad:
0x0: {  	(pc) =	sbr.rel $0x88, $3  }
0x1: {  	(tag) =	ssettag $0x0;
	lr =	simm.s32 $0x1  }
0x2: {  	[smem:$0x3F95] =	sst lr;
	_ =	strace $0xD0000000  }
0x3: {  	_ = 	snop  }
0x4: {  	_ = 	snop  }
0x5: {  	_ = 	snop  }
0x6: {  	_ = 	snop  }
0x7: {  	_ = 	snop  }
__scs_overlays_trampoline_lowered:
0x8: {  	[smem:$0x3FA4] =	sst s0  }
0x9: {  	[smem:$0x3FA5] =	sst s1  }
0xa: {  	[smem:$0x3FA6] =	sst s2  }
0xb: {  	[smem:$0x3FA7] =	sst s3  }
0xc: {  	[smem:$0x3FA8] =	sst s4  }
0xd: {  	[smem:$0x3FA9] =	sst s5  }
0xe: {  	[smem:$0x3FAA] =	sst s6  }
0xf: {  	[smem:$0x3FAB] =	sst s7  }
0x10: {  	[smem:$0x3FAC] =	sst s8  }
0x11: {  	[smem:$0x3FAD] =	sst s9;
	s0 =	simm.s32 @!p0 $0x0  }
0x12: {  	s1 =	sld [smem:$0x3F93];
	s0 =	simm.s32 @p0 $0x1  }
0x13: {  	[smem:$0x3FAE] =	sst s0;
	s0 =	simm.s32 @!p1 $0x0  }
0x14: {  	s2 =	sld [smem:$0x3F92];
	s0 =	simm.s32 @p1 $0x1  }
0x15: {  	[smem:$0x3FAF] =	sst s0;
	s0 =	simm.s32 @!p2 $0x0  }
0x16: {  	s3 =	sld [smem:$0x3FDB];
	s0 =	simm.s32 @p2 $0x1  }
0x17: {  	s4 =	simm.s32 $0x1BF5;
	[smem:$0x3FB1] =	sst s0  }
0x18: {  	s0 =	sld [smem:$0x3F94];
	_ =	swait.ge [sflag:s4], $0x0  }
0x19: {  	s7 =	sld [smem:$0x3F95]  }
0x1a: {  	s8 =	sadd.s32 $0xFFFFE003, lr  }
0x1b: {  	s9 =	sadd.s32 $0xFFFFFEF7, lr;
	s5 =	simm.s32 $0xFFFFFFFF;
	p2 =	slt.u32 s8, $0xFFFFF086  }
0x1c: {  	p1 =	slt.u32 s9, $0xF7A;
	s5 =	simm.s32 @!p2 $0x0  }
0x1d: {  	s5 =	simm.s32 @p1 $0x1;
	p0 =	seq.s32 s7, s2  }
0x1e: {  	s7 =	smul.u32 @!p0 $0xF7A, s2;
	p2 =	seq.s32 @!p0 s5, $0x0  }
0x1f: {  	s9 =	smul.u32 $0xF7A, s1;
	s8 =	simm.s32 @!p0 $0x1BF5;
	p2 =	por !p2, p0  }
0x20: {  	[sflag:s8] =	ssyncset.s32 @!p0 $0xFFFFF086;
	s6 =	sadd.s32 @!p0 s3, s7;
	s7 =	simm.s32 @!p0 $0x108  }
0x21: {  	s3 =	sadd.s32 s3, s9;
	s6 =	sadd.s32 @!p0 $0x88, s6;
	s7 =	simm.s32 @p2 $0x1082  }
0x22: {  	[simem:s7], [sflag:s8] =	dma.local @!p0 [hbm:s6], $0xF7A  }
0x23: {  	s9 =	sor.u32 $0xD0000000, s2;
	s6 =	simm.s32 $0x108;
	_ =	swait.ge @!p0 [sflag:s8], $0x0  }
0x24: {  	s3 =	sadd.s32 $0x88, s3;
	s6 =	simm.s32 @!p1 $0x1082;
	[sflag:s4] =	ssyncset.s32 $0xFFFFF086  }
0x25: {  	[simem:s6], [sflag:s4] =	dma.local [hbm:s3], $0xF7A  }
0x26: {  	[smem:$0x3F95] =	sst s1;
	(tag) =	ssettag s2;
	_ =	strace s9  }
0x27: {  	s1 =	sld [smem:$0x3FA5]  }
0x28: {  	s2 =	sld [smem:$0x3FA6]  }
0x29: {  	s4 =	sld [smem:$0x3FA8]  }
0x2a: {  	p0 =	seq.s32 s5, $0x0;
	s5 =	sld [smem:$0x3FA9]  }
0x2b: {  	s6 =	sld [smem:$0x3FAA]  }
0x2c: {  	s7 =	sld [smem:$0x3FAB]  }
0x2d: {  	s3 =	simm.s32 $0x108;
	s8 =	sld [smem:$0x3FAC]  }
0x2e: {  	s3 =	simm.s32 @!p0 $0x1082;
	s9 =	sld [smem:$0x3FAD]  }
0x2f: {  	lr =	sadd.s32 s0, s3;
	s0 =	sld [smem:$0x3FA4]  }
0x30: {  	s3 =	sld [smem:$0x3FA7]  }
0x31: {  	[smem:$0x3FB0] =	sst s10  }
0x32: {  	s10 =	sld [smem:$0x3FAE];
	_ =	sdelay $0x3  }
0x33: {  	p0 =	seq.s32 s10, $0x1;
	s10 =	sld [smem:$0x3FB0];
	_ =	sdelay $0x3  }
0x34: {  	[smem:$0x3FB0] =	sst s10  }
0x35: {  	s10 =	sld [smem:$0x3FAF];
	_ =	sdelay $0x3  }
0x36: {  	p1 =	seq.s32 s10, $0x1;
	s10 =	sld [smem:$0x3FB0];
	_ =	sdelay $0x3  }
0x37: {  	[smem:$0x3FB0] =	sst s10  }
0x38: {  	s10 =	sld [smem:$0x3FB1]  }
0x39: {  	_ = 	snop;
	(pc) =	sbr.ind lr, $3  }
0x3a: {  	_ = 	snop  }
0x3b: {  	_ = 	snop  }
0x3c: {  	p2 =	seq.s32 s10, $0x1;
	s10 =	sld [smem:$0x3FB0]  }
0x3d: {  	_ =	shalt  }
0x3e: {  	_ =	shalt  }
0x3f: {  	_ =	shalt  }
0x40: {  	_ =	shalt  }
0x41: {  	_ =	shalt  }
0x42: {  	_ =	shalt  }
0x43: {  	_ =	shalt  }
0x44: {  	_ =	shalt  }
0x45: {  	_ =	shalt  }
0x46: {  	_ =	shalt  }
0x47: {  	_ =	shalt  }
0x48: {  	_ =	shalt  }
0x49: {  	_ =	shalt  }
0x4a: {  	_ =	shalt  }
0x4b: {  	_ =	shalt  }
0x4c: {  	_ =	shalt  }
0x4d: {  	_ =	shalt  }
0x4e: {  	_ =	shalt  }
0x4f: {  	_ =	shalt  }
0x50: {  	_ =	shalt  }
0x51: {  	_ =	shalt  }
0x52: {  	_ =	shalt  }
0x53: {  	_ =	shalt  }
0x54: {  	_ =	shalt  }
0x55: {  	_ =	shalt  }
0x56: {  	_ =	shalt  }
0x57: {  	_ =	shalt  }
0x58: {  	_ =	shalt  }
0x59: {  	_ =	shalt  }
0x5a: {  	_ =	shalt  }
0x5b: {  	_ =	shalt  }
0x5c: {  	_ =	shalt  }
0x5d: {  	_ =	shalt  }
0x5e: {  	_ =	shalt  }
0x5f: {  	_ =	shalt  }
0x60: {  	_ =	shalt  }
0x61: {  	_ =	shalt  }
0x62: {  	_ =	shalt  }
0x63: {  	_ =	shalt  }
0x64: {  	_ =	shalt  }
0x65: {  	_ =	shalt  }
0x66: {  	_ =	shalt  }
0x67: {  	_ =	shalt  }
0x68: {  	_ =	shalt  }
0x69: {  	_ =	shalt  }
0x6a: {  	_ =	shalt  }
0x6b: {  	_ =	shalt  }
0x6c: {  	_ =	shalt  }
0x6d: {  	_ =	shalt  }
0x6e: {  	_ =	shalt  }
0x6f: {  	_ =	shalt  }
0x70: {  	_ =	shalt  }
0x71: {  	_ =	shalt  }
0x72: {  	_ =	shalt  }
0x73: {  	_ =	shalt  }
0x74: {  	_ =	shalt  }
0x75: {  	_ =	shalt  }
0x76: {  	_ =	shalt  }
0x77: {  	_ =	shalt  }
0x78: {  	_ =	shalt  }
0x79: {  	_ =	shalt  }
0x7a: {  	_ =	shalt  }
0x7b: {  	_ =	shalt  }
0x7c: {  	_ =	shalt  }
0x7d: {  	_ =	shalt  }
0x7e: {  	_ =	shalt  }
0x7f: {  	_ =	shalt  }
0x80: {  	_ =	shalt  }
0x81: {  	_ =	shalt  }
0x82: {  	_ =	shalt  }
0x83: {  	_ =	shalt  }
0x84: {  	_ =	shalt  }
0x85: {  	_ =	shalt  }
0x86: {  	_ =	shalt  }
0x87: {  	_ =	shalt  }
.Lfunc_end0:
.L_simem_size_0:
called_computation_lowered:
.L_overlay_start_0:
0x88: {  	s2 =	sld [smem:$0x3FD9]  }
0x89: {  	s3 =	sld [smem:$0x3FFE];
	_ =	sdelay $0x1  }
0x8a: {  	s1 =	srdreg.scid  }
0x8b: {  	s0 =	sand.u32 $0x1, s1  }
0x8c: {  	s14 =	sshll.u32 s0, $0xA;
	s2 =	sadd.s32 s3, s2  }
0x8d: {  	s2 =	sadd.s32 s2, s14  }
0x8e: {  	[smem:$0x3FBC] =	sst s2  }
0x8f: {  	_ = 	snop  }
0x90: {  	s2 =	sld [smem:$0x3FD0];
	_ =	sdelay $0x2  }
0x91: {  	s4 =	simm.s32 $0xA;
	s5 =	simm.s32 $0x10;
	s15 =	sld [smem:$0x3FC8]  }
0x92: {  	[smem:s5], [sflag:s4] =	dma.local [hbm:s2], $0x1  }
0x93: {  	_ =	swait.eq [sflag:s4], $0x1  }
0x94: {  	[sflag:s4] =	ssyncset.done $0x0  }
0x95: {  	[sflag:s4] =	ssyncadd.s32 $0xFFFFFFFF  }
0x96: {  	s16 =	sld [smem:$0x10];
	(tm) =	ssettm $0x1  }
0x97: {  	s17 =	sld [smem:$0x3FFB];
	_ =	sdelay $0x3  }
0x98: {  	_ =	strace s17  }
0x99: {  	s4 =	sld [smem:$0x3FFC];
	_ =	sdelay $0x3  }
0x9a: {  	_ =	strace s4  }
0x9b: {  	s4 =	sld [smem:$0x3FFD];
	_ =	sdelay $0x3  }
0x9c: {  	_ =	strace s4  }
0x9d: {  	_ =	strace $0x8FFFFFFF  }
0x9e: {  	s18 =	sld [smem:$0x3FDB];
	_ =	sdelay $0x1  }
0x9f: {  	s19 =	simm.s32 $_scs_section_size  }
0xa0: {  	s6 =	simm.s32 $_size__tile_overlayer_lowered;
	s7 =	simm.s32 $_tile_overlayer_lowered  }
0xa1: {  	s22 =	simm.s32 $0x1BFF;
	s21 =	sshll.u32 s7, $0x1;
	s4 =	sadd.s32 s19, s18  }
0xa2: {  	s8 =	simm.s32 $0x0;
	s20 =	sshll.u32 s6, $0x1;
	s6 =	sadd.s32 s21, s4  }
0xa3: {  	[timem:s8], [sflag:s22] =	dma.local [hbm:s6], s20  }
0xa4: {  	_ =	swait.ge [sflag:s22], s20  }
0xa5: {  	s5 =	ssub.s32 $0x0, s20;
	[sflag:s22] =	ssyncset.done $0x0  }
0xa6: {  	[sflag:s22] =	ssyncadd.s32 s5;
	_ =	sdelay $0x1  }
0xa7: {  	s23 =	simm.s32 $0x1B8B  }
0xa8: {  	_ =	swait.ge [sflag:s23], $0x1  }
0xa9: {  	[sflag:s23] =	ssyncset.done $0x0  }
0xaa: {  	s25 =	simm.s32 $0x1B8E;
	s24 =	sld [smem:$0x3FFE];
	[sflag:s23] =	ssyncadd.s32 $0xFFFFFFFF  }
0xab: {  	s26 =	simm.s32 $execute0_lowered;
	[smem:$0x3FD2] =	sst s25  }
0xac: {  	s6 =	sshll.u32 s26, $0x1;
	_ =	strace $0x80000046;
	[dreg:$0x1] =	wrdreg $0xFFFFFFFF  }
0xad: {  	s28 =	simm.s32 $_size_execute0_lowered;
	s4 =	sadd.s32 s4, s6;
	[dreg:$0x0] =	wrdreg $0x0  }
0xae: {  	s6 =	sshll.u32 s28, $0x1;
	[dreg:$0x2] =	wrdreg s4  }
0xaf: {  	[dreg:$0x3] =	wrdreg s6  }
0xb0: {  	[dreg:$0x4] =	wrdreg $0xC0  }
0xb1: {  	_ =	task [dreg:s8], $0x5FFFF  }
0xb2: {  	[dreg:$0x1] =	wrdreg $0xFFFFFFFF  }
0xb3: {  	[dreg:$0x0] =	wrdreg $0x60  }
0xb4: {  	[dreg:$0x2] =	wrdreg s16  }
0xb5: {  	[dreg:$0x3] =	wrdreg s24  }
0xb6: {  	[dreg:$0x4] =	wrdreg s15  }
0xb7: {  	[dreg:$0x5] =	wrdreg $0x9  }
0xb8: {  	_ =	task.clear_ibuf [dreg:s8], $0x6FFFF;
	_ =	strace $0x90000046  }
0xb9: {  	s29 =	simm.s32 $0x9;
	_ =	strace $0x80000048  }
0xba: {  	_ =	swait.ge [sflag:s29], $0x1  }
0xbb: {  	[sflag:s29] =	ssyncadd.s32 $0xFFFFFFFF  }
0xbc: {  	_ =	strace $0x90000048  }
0xbd: {  	_ =	sfence  }
0xbe: {  	s30 =	sld [smem:$0x0];
	_ =	sdelay $0x2  }
0xbf: {  	s31 =	sshll.u32 s1, $0xD;
	s1 =	sshrl.u32 s1, $0x2  }
0xc0: {  	s3 =	sand.u32 $0x4000, s31;
	s1 =	sadd.s32 s1, s30  }
0xc1: {  	s0 =	sor.u32 s3, s0;
	s1 =	sshll.u32 s1, $0x11  }
0xc2: {  	s0 =	sor.u32 s1, s0  }
0xc3: {  	s0 =	sadd.s32 $0x8F2B, s0  }
0xc4: {  	[sflag:s0] =	ssyncadd.remote.s32 $0x1  }
0xc5: {  	_ =	sfence.sel $0xFFFF  }
0xc6: {  	[dreg:$0x0] =	wrdreg $0xFFFFFFFF;
	(pc) =	sbr.abs _section_cstart, $3  }
0xc7: {  	[dreg:$0x1] =	wrdreg $0xFFFFFFFF  }
0xc8: {  	_ =	task.clear_ibuf [dreg:s8], $0x2FFFF;
	_ =	strace $0x9FFFFFFF  }
0xc9: {  	(tm) =	ssettm $0x7FFFFFFF  }
tec
execute0_lowered:
.L_overlay_start_1:
0x0: {  	(tag) =	ssettag $0x1  }
0x1: {  	s1 =	rddreg [dreg:$0x0];
	s0 =	srdreg.scid  }
0x2: {  	s13 =	stileid.u32;
	s2 =	rddreg [dreg:$0x1];
	s4 =	simm.s32 $0x0  }
0x3: {  	s17 =	simm.s32 $0x5;
	s26 =	simm.s32 $0x18D80;
	s28 =	simm.s32 $0x3  }
0x4: {  	s29 =	simm.s32 $0x2;
	s30 =	simm.s32 $0x4;
	s31 =	simm.s32 $0x0  }
0x5: {  	s0 =	sand.u32 $0x1, s0;
	s3 =	sshll.u32 s13, $0x1;
	s10 =	smul.u32 $0x4E20, s13  }
0x6: {  	[smem:$0x7FF] =	sst s4;
	s5 =	sadd.s32 $0x16E00, s2;
	s23 =	smul.u32 $0x4E200, s13  }
0x7: {  	s8 =	sadd.s32 $0x47E00, s2;
	s9 =	sadd.s32 $0x529E00, s2;
	s12 =	smul.u32 $0x2710, s0  }
0x8: {  	s3 =	sor.u32 s0, s3;
	s7 =	ssub.s32 $0x2, s0;
	s13 =	smul.u32 $0x27100, s0  }
0x9: {  	_ =	strace $0x80000047;
	s3 =	smul.u32 $0x2710, s3;
	s11 =	sshrl.u32 s7, $0x1  }
0xa: {  	[dreg:$0x4] =	wrdreg s26;
	s26 =	simm.s32 $0x18D00;
	s7 =	ssub.s32 s7, s11  }
0xb: {  	s10 =	sadd.s32 s12, s10;
	s6 =	sshrl.u32 s3, $0x3;
	s3 =	sadd.s32 $0x26C0, s3  }
0xc: {  	s22 =	sadd.s32 $0x50, s10;
	s24 =	smax.u32 s7, $0x1;
	s25 =	sshrl.u32 s10, $0x3  }
0xd: {  	s6 =	sadd.s32 s6, s2;
	s2 =	sadd.s32 $0x3E000, s2;
	s20 =	sshll.u32 s3, $0x4  }
0xe: {  	s3 =	sshrl.u32 s3, $0x3;
	[dreg:$0xa] =	wrdreg s24;
	s19 =	sadd.s32 $0xD000, s6  }
0xf: {  	s24 =	simm.s32 $0x16500;
	s6 =	sadd.s32 $0x3200, s6;
	[dreg:$0x5] =	wrdreg s19  }
0x10: {  	s21 =	sadd.s32 s8, s20;
	s3 =	sadd.s32 s2, s3;
	[dreg:$0x6] =	wrdreg s6  }
0x11: {  	s0 =	sadd.s32 s25, s2;
	s25 =	simm.s32 $0x1;
	[dreg:$0x7] =	wrdreg s21  }
0x12: {  	s6 =	sadd.s32 s9, s20;
	[dreg:$0x9] =	wrdreg s3;
	s3 =	sadd.s32 s23, s8  }
0x13: {  	s19 =	simm.s32 $0x4F00;
	s20 =	simm.s32 $0x50;
	s21 =	simm.s32 $0xED00  }
0x14: {  	[dreg:$0x8] =	wrdreg s6;
	s6 =	sshrl.u32 s22, $0x3;
	s22 =	simm.s32 $0x11500  }
0x15: {  	s7 =	sadd.s32 s6, s2;
	s6 =	sadd.s32 s23, s9;
	s23 =	simm.s32 $0x13D00  }
.LBB2_1:
0x16: {  	s2 =	rddreg [dreg:$0x5]  }
0x17: {  	[tilespmem:s4], [sflag:$0x5] =	stream.linear.gather [hbm4b:s2+s4], $0x2710, $0x38;
	[tilespmem:$0x18E00] =	vst v63  }
0x18: {  	_ =	swait.ge [sflag:s17], $0x2710  }
0x19: {  	[sflag:s17] =	ssyncset.done $0x0  }
0x1a: {  	s8 =	simm.s32 $0x2780;
	s16 =	rddreg [dreg:$0x6];
	[sflag:s17] =	ssyncadd.s32 $0xFFFFD8F0  }
0x1b: {  	[tilespmem:s8], [sflag:$0x5] =	stream.linear.gather [hbm4b:s16+s4], $0x2710, $0x38;
	[tilespmem:$0x18E00] =	vst v63  }
0x1c: {  	_ =	swait.ge [sflag:s17], $0x2710  }
0x1d: {  	[sflag:s17] =	ssyncset.done $0x0  }
0x1e: {  	[sflag:s17] =	ssyncadd.s32 $0xFFFFD8F0  }
0x1f: {  	s18 =	rddreg [dreg:$0x2]  }
0x20: {  	[tilespmem:s19], [sflag:$0x5] =	stream.linear.gather [hbm4b:s18+s4], $0x9E00, $0x38;
	[tilespmem:$0x18E00] =	vst v63  }
0x21: {  	_ =	swait.ge [sflag:s17], $0x9E00  }
0x22: {  	[sflag:s17] =	ssyncset.done $0x0  }
0x23: {  	[sflag:s17] =	ssyncadd.s32 $0xFFFF6200  }
0x24: {  	[tilespmem:s21], [sflag:$0x1] =	stream.indirect.gather [hbm4b:s1+s20], $0x80, s4, s20, $0xb8;
	[tilespmem:$0x18E00] =	vst v63  }
0x25: {  	s15 =	smov.u32 s3;
	s14 =	smov.u32 s6;
	s12 =	smov.u32 s7  }
0x26: {  	[tilespmem:s22], [sflag:$0x1] =	stream.indirect.gather [hbm4b:s5+s20], $0x80, s8, s20, $0xb8;
	[tilespmem:$0x18E00] =	vst v63  }
0x27: {  	s2 =	simm.s32 $0x0;
	s16 =	smov.u32 s0;
	s8 =	simm.s32 $0x0  }
.LBB2_2:
0x28: {  	p0 =	seq.s32 s8, $0x0  }
0x29: {  	s10 =	simm.s32 @!p0 $0x4  }
0x2a: {  	_ =	swait.ge @!p0 [sflag:s10], $0x2800  }
0x2b: {  	[sflag:s10] =	ssyncset.done @!p0 $0x0  }
0x2c: {  	[sflag:s10] =	ssyncadd.s32 @!p0 $0xFFFFD800  }
0x2d: {  	_ =	swait.ge @!p0 [sflag:s10], $0x2800  }
0x2e: {  	[sflag:s10] =	ssyncset.done @!p0 $0x0  }
0x2f: {  	[sflag:s10] =	ssyncadd.s32 @!p0 $0xFFFFD800  }
0x30: {  	_ =	swait.ge @!p0 [sflag:s10], $0x50  }
0x31: {  	s9 =	sshra.s32 s8, $0x2;
	[sflag:s10] =	ssyncset.done @!p0 $0x0  }
0x32: {  	s11 =	sadd.s32 $0x50, s9;
	[sflag:s10] =	ssyncadd.s32 @!p0 $0xFFFFFFB0  }
0x33: {  	[tilespmem:s23], [sflag:$0x2] =	stream.indirect.gather [hbm4b:s1+s20], $0x80, s11, s20, $0xb8;
	[tilespmem:$0x18E00] =	vst v63  }
0x34: {  	s18 =	sadd.s32 $0x27D0, s9  }
0x35: {  	[tilespmem:s24], [sflag:$0x2] =	stream.indirect.gather [hbm4b:s5+s20], $0x80, s18, s20, $0xb8;
	[tilespmem:$0x18E00] =	vst v63  }
0x36: {  	v0 =	vld [tilespmem:s9+$0x0];
	_ =	sdelay $0x1  }
0x37: {  	v1 =	vld [tilespmem:s9+$0x2780];
	_ =	sdelay $0x2  }
0x38: {  	v2 =	vshll.u32 v0, $0x2  }
0x39: {  	v0 =	vand.u32 $0x7F, v0;
	v2 =	vand.u32 $0xFFFFFE00, v2  }
0x3a: {  	v46 =	vshll.u32 v1, $0x2;
	v0 =	vor.u32 v0, v2  }
0x3b: {  	v1 =	vand.u32 $0x7F, v1;
	v2 =	vand.u32 $0xFFFFFE00, v46;
	v3 =	vor.u32 $0x80, v0  }
0x3c: {  	v1 =	vor.u32 v1, v2  }
0x3d: {  	v2 =	vor.u32 $0x80, v1  }
0x3e: {  	v4 =	vor.u32 $0x100, v0  }
0x3f: {  	v5 =	vor.u32 $0x100, v1;
	v0 =	vld.idx.msk [tilespmem:v0+s19+$0x0], $0xffff  }
0x40: {  	v3 =	vld.idx.msk [tilespmem:v3+s19+$0x0], $0xffff  }
0x41: {  	v1 =	vld.idx.msk [tilespmem:v1+s19+$0x0], $0xffff  }
0x42: {  	v2 =	vld.idx.msk [tilespmem:v2+s19+$0x0], $0xffff  }
0x43: {  	v4 =	vld.idx.msk [tilespmem:v4+s19+$0x0], $0xffff  }
0x44: {  	v5 =	vld.idx.msk [tilespmem:v5+s19+$0x0], $0xffff;
	_ =	sdelay $0x2  }
0x45: {  	v0 =	vmul.f32 v1, v0;
	v47 =	vmul.f32 v2, v3;
	_ =	sdelay $0x1  }
0x46: {  	v48 =	vmul.f32 v5, v4;
	v0 =	vadd.f32 v47, v0;
	_ =	sdelay $0x1  }
0x47: {  	v0 =	vadd.f32 v48, v0;
	_ =	sdelay $0x1  }
0x48: {  	[tilespmem:$0x18D00] =	vst v0  }
0x49: {  	v0 =	vld [tilespmem:s9+$0x10];
	_ =	sdelay $0x1  }
0x4a: {  	v49 =	vld [tilespmem:s9+$0x2790];
	_ =	sdelay $0x2  }
0x4b: {  	v50 =	vshll.u32 v0, $0x2  }
0x4c: {  	v0 =	vand.u32 $0x7F, v0;
	v2 =	vand.u32 $0xFFFFFE00, v50  }
0x4d: {  	v51 =	vshll.u32 v49, $0x2;
	v0 =	vor.u32 v0, v2  }
0x4e: {  	v1 =	vand.u32 $0x7F, v49;
	v2 =	vand.u32 $0xFFFFFE00, v51;
	v52 =	vor.u32 $0x80, v0  }
0x4f: {  	v1 =	vor.u32 v1, v2  }
0x50: {  	v2 =	vor.u32 $0x80, v1  }
0x51: {  	v53 =	vor.u32 $0x100, v0  }
0x52: {  	v54 =	vor.u32 $0x100, v1;
	v0 =	vld.idx.msk [tilespmem:v0+s19+$0x0], $0xffff  }
0x53: {  	v3 =	vld.idx.msk [tilespmem:v52+s19+$0x0], $0xffff  }
0x54: {  	v1 =	vld.idx.msk [tilespmem:v1+s19+$0x0], $0xffff  }
0x55: {  	v2 =	vld.idx.msk [tilespmem:v2+s19+$0x0], $0xffff  }
0x56: {  	v4 =	vld.idx.msk [tilespmem:v53+s19+$0x0], $0xffff  }
0x57: {  	v5 =	vld.idx.msk [tilespmem:v54+s19+$0x0], $0xffff;
	_ =	sdelay $0x2  }
0x58: {  	v0 =	vmul.f32 v1, v0;
	v55 =	vmul.f32 v2, v3;
	_ =	sdelay $0x1  }
0x59: {  	v56 =	vmul.f32 v5, v4;
	v0 =	vadd.f32 v55, v0;
	_ =	sdelay $0x1  }
0x5a: {  	v0 =	vadd.f32 v56, v0;
	_ =	sdelay $0x1  }
0x5b: {  	[tilespmem:$0x18D10] =	vst v0  }
0x5c: {  	v0 =	vld [tilespmem:s9+$0x20];
	_ =	sdelay $0x1  }
0x5d: {  	v57 =	vld [tilespmem:s9+$0x27A0];
	_ =	sdelay $0x2  }
0x5e: {  	v58 =	vshll.u32 v0, $0x2  }
0x5f: {  	v0 =	vand.u32 $0x7F, v0;
	v2 =	vand.u32 $0xFFFFFE00, v58  }
0x60: {  	v59 =	vshll.u32 v57, $0x2;
	v0 =	vor.u32 v0, v2  }
0x61: {  	v1 =	vand.u32 $0x7F, v57;
	v2 =	vand.u32 $0xFFFFFE00, v59;
	v60 =	vor.u32 $0x80, v0  }
0x62: {  	v1 =	vor.u32 v1, v2  }
0x63: {  	v2 =	vor.u32 $0x80, v1  }
0x64: {  	v61 =	vor.u32 $0x100, v0  }
0x65: {  	v62 =	vor.u32 $0x100, v1;
	v0 =	vld.idx.msk [tilespmem:v0+s19+$0x0], $0xffff  }
0x66: {  	v3 =	vld.idx.msk [tilespmem:v60+s19+$0x0], $0xffff  }
0x67: {  	v1 =	vld.idx.msk [tilespmem:v1+s19+$0x0], $0xffff  }
0x68: {  	v2 =	vld.idx.msk [tilespmem:v2+s19+$0x0], $0xffff  }
0x69: {  	v4 =	vld.idx.msk [tilespmem:v61+s19+$0x0], $0xffff  }
0x6a: {  	v5 =	vld.idx.msk [tilespmem:v62+s19+$0x0], $0xffff;
	_ =	sdelay $0x2  }
0x6b: {  	v0 =	vmul.f32 v1, v0;
	v63 =	vmul.f32 v2, v3;
	_ =	sdelay $0x1  }
0x6c: {  	v6 =	vmul.f32 v5, v4;
	v0 =	vadd.f32 v63, v0;
	_ =	sdelay $0x1  }
0x6d: {  	v0 =	vadd.f32 v6, v0;
	_ =	sdelay $0x1  }
0x6e: {  	[tilespmem:$0x18D20] =	vst v0  }
0x6f: {  	v0 =	vld [tilespmem:s9+$0x30];
	_ =	sdelay $0x1  }
0x70: {  	v7 =	vld [tilespmem:s9+$0x27B0];
	_ =	sdelay $0x2  }
0x71: {  	v8 =	vshll.u32 v0, $0x2  }
0x72: {  	v0 =	vand.u32 $0x7F, v0;
	v2 =	vand.u32 $0xFFFFFE00, v8  }
0x73: {  	v9 =	vshll.u32 v7, $0x2;
	v0 =	vor.u32 v0, v2  }
0x74: {  	v1 =	vand.u32 $0x7F, v7;
	v2 =	vand.u32 $0xFFFFFE00, v9;
	v10 =	vor.u32 $0x80, v0  }
0x75: {  	v1 =	vor.u32 v1, v2  }
0x76: {  	v2 =	vor.u32 $0x80, v1  }
0x77: {  	v11 =	vor.u32 $0x100, v0  }
0x78: {  	v12 =	vor.u32 $0x100, v1;
	v0 =	vld.idx.msk [tilespmem:v0+s19+$0x0], $0xffff  }
0x79: {  	v3 =	vld.idx.msk [tilespmem:v10+s19+$0x0], $0xffff  }
0x7a: {  	v1 =	vld.idx.msk [tilespmem:v1+s19+$0x0], $0xffff  }
0x7b: {  	v2 =	vld.idx.msk [tilespmem:v2+s19+$0x0], $0xffff  }
0x7c: {  	v4 =	vld.idx.msk [tilespmem:v11+s19+$0x0], $0xffff  }
0x7d: {  	v5 =	vld.idx.msk [tilespmem:v12+s19+$0x0], $0xffff;
	_ =	sdelay $0x2  }
0x7e: {  	v0 =	vmul.f32 v1, v0;
	v13 =	vmul.f32 v2, v3;
	_ =	sdelay $0x1  }
0x7f: {  	v14 =	vmul.f32 v5, v4;
	v0 =	vadd.f32 v13, v0;
	_ =	sdelay $0x1  }
0x80: {  	v0 =	vadd.f32 v14, v0;
	_ =	sdelay $0x1  }
0x81: {  	[tilespmem:$0x18D30] =	vst v0  }
0x82: {  	v0 =	vld [tilespmem:s9+$0x40];
	_ =	sdelay $0x1  }
0x83: {  	v15 =	vld [tilespmem:s9+$0x27C0];
	_ =	sdelay $0x2  }
0x84: {  	v16 =	vshll.u32 v0, $0x2  }
0x85: {  	v0 =	vand.u32 $0x7F, v0;
	v2 =	vand.u32 $0xFFFFFE00, v16  }
0x86: {  	v17 =	vshll.u32 v15, $0x2;
	v0 =	vor.u32 v0, v2  }
0x87: {  	v1 =	vand.u32 $0x7F, v15;
	v2 =	vand.u32 $0xFFFFFE00, v17;
	v18 =	vor.u32 $0x80, v0  }
0x88: {  	v1 =	vor.u32 v1, v2  }
0x89: {  	v2 =	vor.u32 $0x80, v1  }
0x8a: {  	v19 =	vor.u32 $0x100, v0  }
0x8b: {  	v20 =	vor.u32 $0x100, v1;
	v0 =	vld.idx.msk [tilespmem:v0+s19+$0x0], $0xffff  }
0x8c: {  	v3 =	vld.idx.msk [tilespmem:v18+s19+$0x0], $0xffff  }
0x8d: {  	v1 =	vld.idx.msk [tilespmem:v1+s19+$0x0], $0xffff  }
0x8e: {  	v2 =	vld.idx.msk [tilespmem:v2+s19+$0x0], $0xffff  }
0x8f: {  	v4 =	vld.idx.msk [tilespmem:v19+s19+$0x0], $0xffff  }
0x90: {  	v5 =	vld.idx.msk [tilespmem:v20+s19+$0x0], $0xffff;
	_ =	sdelay $0x2  }
0x91: {  	v0 =	vmul.f32 v1, v0;
	v21 =	vmul.f32 v2, v3;
	_ =	sdelay $0x1  }
0x92: {  	v22 =	vmul.f32 v5, v4;
	v0 =	vadd.f32 v21, v0;
	_ =	sdelay $0x1  }
0x93: {  	v0 =	vadd.f32 v22, v0;
	_ =	sdelay $0x1  }
0x94: {  	[tilespmem:$0x18D40] =	vst v0  }
0x95: {  	_ =	swait.ge [sflag:s25], $0x2800  }
0x96: {  	[sflag:s25] =	ssyncset.done $0x0  }
0x97: {  	[sflag:s25] =	ssyncadd.s32 $0xFFFFD800  }
0x98: {  	_ =	swait.ge [sflag:s25], $0x2800  }
0x99: {  	[sflag:s25] =	ssyncset.done $0x0  }
0x9a: {  	s10 =	sadd.s32 s15, s13;
	[sflag:s25] =	ssyncadd.s32 $0xFFFFD800  }
0x9b: {  	[hbm4b:s10+s4] =	stream.linear.scatter [tilespmem:s21], [sflag:$0x3], $0x2800, $0x38;
	[tilespmem:$0x18E00] =	vst v63  }
0x9c: {  	s18 =	sadd.s32 s14, s13  }
0x9d: {  	[hbm4b:s18+s4] =	stream.linear.scatter [tilespmem:s22], [sflag:$0x3], $0x2800, $0x38;
	[tilespmem:$0x18E00] =	vst v63  }
0x9e: {  	_ = 	snop  }
0x9f: {  	[hbm4b:s16+s4] =	stream.linear.scatter [tilespmem:s26], [sflag:$0x3], $0x50, $0x38;
	[tilespmem:$0x18E00] =	vst v63  }
0xa0: {  	_ =	swait.ge [sflag:s28], $0x2800  }
0xa1: {  	[sflag:s28] =	ssyncset.done $0x0  }
0xa2: {  	[sflag:s28] =	ssyncadd.s32 $0xFFFFD800  }
0xa3: {  	_ =	swait.ge [sflag:s28], $0x2800  }
0xa4: {  	[sflag:s28] =	ssyncset.done $0x0  }
0xa5: {  	[sflag:s28] =	ssyncadd.s32 $0xFFFFD800  }
0xa6: {  	_ =	swait.ge [sflag:s28], $0x50  }
0xa7: {  	[sflag:s28] =	ssyncset.done $0x0  }
0xa8: {  	s11 =	sadd.s32 $0xA0, s9;
	[sflag:s28] =	ssyncadd.s32 $0xFFFFFFB0  }
0xa9: {  	[tilespmem:s21], [sflag:$0x1] =	stream.indirect.gather [hbm4b:s1+s20], $0x80, s11, s20, $0xb8;
	[tilespmem:$0x18E00] =	vst v63  }
0xaa: {  	s11 =	sadd.s32 $0x2820, s9  }
0xab: {  	[tilespmem:s22], [sflag:$0x1] =	stream.indirect.gather [hbm4b:s5+s20], $0x80, s11, s20, $0xb8;
	[tilespmem:$0x18E00] =	vst v63  }
0xac: {  	v23 =	vld [tilespmem:s9+$0x50];
	_ =	sdelay $0x1  }
0xad: {  	v24 =	vld [tilespmem:s9+$0x27D0];
	_ =	sdelay $0x2  }
0xae: {  	v25 =	vshll.u32 v23, $0x2  }
0xaf: {  	v0 =	vand.u32 $0x7F, v23;
	v2 =	vand.u32 $0xFFFFFE00, v25  }
0xb0: {  	v26 =	vshll.u32 v24, $0x2;
	v0 =	vor.u32 v0, v2  }
0xb1: {  	v1 =	vand.u32 $0x7F, v24;
	v2 =	vand.u32 $0xFFFFFE00, v26;
	v27 =	vor.u32 $0x80, v0  }
0xb2: {  	v1 =	vor.u32 v1, v2  }
0xb3: {  	v2 =	vor.u32 $0x80, v1  }
0xb4: {  	v28 =	vor.u32 $0x100, v0  }
0xb5: {  	v29 =	vor.u32 $0x100, v1;
	v0 =	vld.idx.msk [tilespmem:v0+s19+$0x0], $0xffff  }
0xb6: {  	v3 =	vld.idx.msk [tilespmem:v27+s19+$0x0], $0xffff  }
0xb7: {  	v1 =	vld.idx.msk [tilespmem:v1+s19+$0x0], $0xffff  }
0xb8: {  	v2 =	vld.idx.msk [tilespmem:v2+s19+$0x0], $0xffff  }
0xb9: {  	v4 =	vld.idx.msk [tilespmem:v28+s19+$0x0], $0xffff  }
0xba: {  	v5 =	vld.idx.msk [tilespmem:v29+s19+$0x0], $0xffff;
	_ =	sdelay $0x2  }
0xbb: {  	v0 =	vmul.f32 v1, v0;
	v30 =	vmul.f32 v2, v3;
	_ =	sdelay $0x1  }
0xbc: {  	v31 =	vmul.f32 v5, v4;
	v0 =	vadd.f32 v30, v0;
	_ =	sdelay $0x1  }
0xbd: {  	v0 =	vadd.f32 v31, v0;
	_ =	sdelay $0x1  }
0xbe: {  	[tilespmem:$0x18D80] =	vst v0  }
0xbf: {  	v0 =	vld [tilespmem:s9+$0x60];
	_ =	sdelay $0x1  }
0xc0: {  	v32 =	vld [tilespmem:s9+$0x27E0];
	_ =	sdelay $0x2  }
0xc1: {  	v33 =	vshll.u32 v0, $0x2  }
0xc2: {  	v0 =	vand.u32 $0x7F, v0;
	v2 =	vand.u32 $0xFFFFFE00, v33  }
0xc3: {  	v34 =	vshll.u32 v32, $0x2;
	v0 =	vor.u32 v0, v2  }
0xc4: {  	v1 =	vand.u32 $0x7F, v32;
	v2 =	vand.u32 $0xFFFFFE00, v34;
	v35 =	vor.u32 $0x80, v0  }
0xc5: {  	v1 =	vor.u32 v1, v2  }
0xc6: {  	v2 =	vor.u32 $0x80, v1  }
0xc7: {  	v36 =	vor.u32 $0x100, v0  }
0xc8: {  	v37 =	vor.u32 $0x100, v1;
	v0 =	vld.idx.msk [tilespmem:v0+s19+$0x0], $0xffff  }
0xc9: {  	v3 =	vld.idx.msk [tilespmem:v35+s19+$0x0], $0xffff  }
0xca: {  	v1 =	vld.idx.msk [tilespmem:v1+s19+$0x0], $0xffff  }
0xcb: {  	v2 =	vld.idx.msk [tilespmem:v2+s19+$0x0], $0xffff  }
0xcc: {  	v4 =	vld.idx.msk [tilespmem:v36+s19+$0x0], $0xffff  }
0xcd: {  	v5 =	vld.idx.msk [tilespmem:v37+s19+$0x0], $0xffff;
	_ =	sdelay $0x2  }
0xce: {  	v0 =	vmul.f32 v1, v0;
	v38 =	vmul.f32 v2, v3;
	_ =	sdelay $0x1  }
0xcf: {  	v39 =	vmul.f32 v5, v4;
	v0 =	vadd.f32 v38, v0;
	_ =	sdelay $0x1  }
0xd0: {  	v0 =	vadd.f32 v39, v0;
	_ =	sdelay $0x1  }
0xd1: {  	[tilespmem:$0x18D90] =	vst v0  }
0xd2: {  	v0 =	vld [tilespmem:s9+$0x70];
	_ =	sdelay $0x1  }
0xd3: {  	v40 =	vld [tilespmem:s9+$0x27F0];
	_ =	sdelay $0x2  }
0xd4: {  	v41 =	vshll.u32 v0, $0x2  }
0xd5: {  	v0 =	vand.u32 $0x7F, v0;
	v2 =	vand.u32 $0xFFFFFE00, v41  }
0xd6: {  	v42 =	vshll.u32 v40, $0x2;
	v0 =	vor.u32 v0, v2  }
0xd7: {  	v1 =	vand.u32 $0x7F, v40;
	v2 =	vand.u32 $0xFFFFFE00, v42;
	v43 =	vor.u32 $0x80, v0  }
0xd8: {  	v1 =	vor.u32 v1, v2  }
0xd9: {  	v2 =	vor.u32 $0x80, v1  }
0xda: {  	v44 =	vor.u32 $0x100, v0  }
0xdb: {  	v45 =	vor.u32 $0x100, v1;
	v0 =	vld.idx.msk [tilespmem:v0+s19+$0x0], $0xffff  }
0xdc: {  	v3 =	vld.idx.msk [tilespmem:v43+s19+$0x0], $0xffff  }
0xdd: {  	v1 =	vld.idx.msk [tilespmem:v1+s19+$0x0], $0xffff  }
0xde: {  	v2 =	vld.idx.msk [tilespmem:v2+s19+$0x0], $0xffff  }
0xdf: {  	v4 =	vld.idx.msk [tilespmem:v44+s19+$0x0], $0xffff  }
0xe0: {  	v5 =	vld.idx.msk [tilespmem:v45+s19+$0x0], $0xffff;
	_ =	sdelay $0x2  }
0xe1: {  	v0 =	vmul.f32 v1, v0;
	v46 =	vmul.f32 v2, v3;
	_ =	sdelay $0x1  }
0xe2: {  	v47 =	vmul.f32 v5, v4;
	v0 =	vadd.f32 v46, v0;
	_ =	sdelay $0x1  }
0xe3: {  	v0 =	vadd.f32 v47, v0;
	_ =	sdelay $0x1  }
0xe4: {  	s11 =	sand.u32 $0x3FE0, s2;
	[tilespmem:$0x18DA0] =	vst v0  }
0xe5: {  	v0 =	vld [tilespmem:s11+$0x80];
	_ =	sdelay $0x1  }
0xe6: {  	v48 =	vld [tilespmem:s11+$0x2800];
	_ =	sdelay $0x2  }
0xe7: {  	v49 =	vshll.u32 v0, $0x2  }
0xe8: {  	v0 =	vand.u32 $0x7F, v0;
	v2 =	vand.u32 $0xFFFFFE00, v49  }
0xe9: {  	v50 =	vshll.u32 v48, $0x2;
	v0 =	vor.u32 v0, v2  }
0xea: {  	v1 =	vand.u32 $0x7F, v48;
	v2 =	vand.u32 $0xFFFFFE00, v50;
	v51 =	vor.u32 $0x80, v0  }
0xeb: {  	v1 =	vor.u32 v1, v2  }
0xec: {  	v2 =	vor.u32 $0x80, v1  }
0xed: {  	v52 =	vor.u32 $0x100, v0  }
0xee: {  	v53 =	vor.u32 $0x100, v1;
	v0 =	vld.idx.msk [tilespmem:v0+s19+$0x0], $0xffff  }
0xef: {  	v3 =	vld.idx.msk [tilespmem:v51+s19+$0x0], $0xffff  }
0xf0: {  	v1 =	vld.idx.msk [tilespmem:v1+s19+$0x0], $0xffff  }
0xf1: {  	v2 =	vld.idx.msk [tilespmem:v2+s19+$0x0], $0xffff  }
0xf2: {  	v4 =	vld.idx.msk [tilespmem:v52+s19+$0x0], $0xffff  }
0xf3: {  	v5 =	vld.idx.msk [tilespmem:v53+s19+$0x0], $0xffff;
	_ =	sdelay $0x2  }
0xf4: {  	v0 =	vmul.f32 v1, v0;
	v54 =	vmul.f32 v2, v3;
	_ =	sdelay $0x1  }
0xf5: {  	v55 =	vmul.f32 v5, v4;
	v0 =	vadd.f32 v54, v0;
	_ =	sdelay $0x1  }
0xf6: {  	v0 =	vadd.f32 v55, v0;
	_ =	sdelay $0x1  }
0xf7: {  	[tilespmem:$0x18DB0] =	vst v0  }
0xf8: {  	v0 =	vld [tilespmem:s9+$0x90];
	_ =	sdelay $0x1  }
0xf9: {  	v56 =	vld [tilespmem:s9+$0x2810];
	_ =	sdelay $0x2  }
0xfa: {  	v57 =	vshll.u32 v0, $0x2  }
0xfb: {  	v0 =	vand.u32 $0x7F, v0;
	v2 =	vand.u32 $0xFFFFFE00, v57  }
0xfc: {  	v58 =	vshll.u32 v56, $0x2;
	v0 =	vor.u32 v0, v2  }
0xfd: {  	v1 =	vand.u32 $0x7F, v56;
	v2 =	vand.u32 $0xFFFFFE00, v58;
	v59 =	vor.u32 $0x80, v0  }
0xfe: {  	v1 =	vor.u32 v1, v2  }
0xff: {  	v2 =	vor.u32 $0x80, v1  }
0x100: {  	v60 =	vor.u32 $0x100, v0  }
0x101: {  	v61 =	vor.u32 $0x100, v1;
	v0 =	vld.idx.msk [tilespmem:v0+s19+$0x0], $0xffff  }
0x102: {  	v3 =	vld.idx.msk [tilespmem:v59+s19+$0x0], $0xffff  }
0x103: {  	v1 =	vld.idx.msk [tilespmem:v1+s19+$0x0], $0xffff  }
0x104: {  	v2 =	vld.idx.msk [tilespmem:v2+s19+$0x0], $0xffff  }
0x105: {  	v4 =	vld.idx.msk [tilespmem:v60+s19+$0x0], $0xffff  }
0x106: {  	v5 =	vld.idx.msk [tilespmem:v61+s19+$0x0], $0xffff;
	_ =	sdelay $0x2  }
0x107: {  	v0 =	vmul.f32 v1, v0;
	v62 =	vmul.f32 v2, v3;
	_ =	sdelay $0x1  }
0x108: {  	v63 =	vmul.f32 v5, v4;
	v0 =	vadd.f32 v62, v0;
	_ =	sdelay $0x1  }
0x109: {  	v0 =	vadd.f32 v63, v0;
	_ =	sdelay $0x1  }
0x10a: {  	[tilespmem:$0x18DC0] =	vst v0  }
0x10b: {  	_ =	swait.ge [sflag:s29], $0x2800  }
0x10c: {  	[sflag:s29] =	ssyncset.done $0x0  }
0x10d: {  	[sflag:s29] =	ssyncadd.s32 $0xFFFFD800  }
0x10e: {  	_ =	swait.ge [sflag:s29], $0x2800  }
0x10f: {  	s8 =	sadd.s32 $0x280, s8;
	[sflag:s29] =	ssyncset.done $0x0  }
0x110: {  	p0 =	sne.s32 s8, $0x9B00;
	s10 =	sadd.s32 $0x500, s10;
	[sflag:s29] =	ssyncadd.s32 $0xFFFFD800  }
0x111: {  	[hbm4b:s10+s4] =	stream.linear.scatter [tilespmem:s23], [sflag:$0x4], $0x2800, $0x38;
	[tilespmem:$0x18E00] =	vst v63  }
.Ltmp0:
0x112: {  	s11 =	sadd.s32 $0x500, s18;
	(pc) =	sbr.rel @p0 .LBB2_2-.Ltmp0, $4  }
0x113: {  	[hbm4b:s11+s4] =	stream.linear.scatter [tilespmem:s24], [sflag:$0x4], $0x2800, $0x38;
	[tilespmem:$0x18E00] =	vst v63  }
0x114: {  	s15 =	sadd.s32 $0xA00, s15;
	s14 =	sadd.s32 $0xA00, s14;
	s18 =	rddreg [dreg:$0x4]  }
0x115: {  	[hbm4b:s12+s4] =	stream.linear.scatter [tilespmem:s18], [sflag:$0x4], $0x50, $0x38;
	[tilespmem:$0x18E00] =	vst v63  }
0x116: {  	s16 =	sadd.s32 $0x14, s16;
	s2 =	sadd.s32 $0xA0, s2;
	s12 =	sadd.s32 $0x14, s12  }
0x117: {  	_ =	swait.ge [sflag:s30], $0x2800  }
0x118: {  	[sflag:s30] =	ssyncset.done $0x0  }
0x119: {  	[sflag:s30] =	ssyncadd.s32 $0xFFFFD800  }
0x11a: {  	_ =	swait.ge [sflag:s30], $0x2800  }
0x11b: {  	[sflag:s30] =	ssyncset.done $0x0  }
0x11c: {  	[sflag:s30] =	ssyncadd.s32 $0xFFFFD800  }
0x11d: {  	_ =	swait.ge [sflag:s30], $0x50  }
0x11e: {  	[sflag:s30] =	ssyncset.done $0x0  }
0x11f: {  	[sflag:s30] =	ssyncadd.s32 $0xFFFFFFB0  }
0x120: {  	v0 =	vld [tilespmem:$0x26C0];
	_ =	sdelay $0x1  }
0x121: {  	v1 =	vld [tilespmem:$0x4E40];
	_ =	sdelay $0x2  }
0x122: {  	v2 =	vshll.u32 v0, $0x2  }
0x123: {  	v0 =	vand.u32 $0x7F, v0;
	v2 =	vand.u32 $0xFFFFFE00, v2  }
0x124: {  	v25 =	vshll.u32 v1, $0x2;
	v0 =	vor.u32 v0, v2  }
0x125: {  	v1 =	vand.u32 $0x7F, v1;
	v2 =	vand.u32 $0xFFFFFE00, v25;
	v3 =	vor.u32 $0x80, v0  }
0x126: {  	v1 =	vor.u32 v1, v2  }
0x127: {  	v6 =	vld [tilespmem:$0x26D0];
	v2 =	vor.u32 $0x80, v1  }
0x128: {  	v27 =	vld [tilespmem:$0x4E50];
	v4 =	vor.u32 $0x100, v0  }
0x129: {  	v5 =	vor.u32 $0x100, v1;
	v0 =	vld.idx.msk [tilespmem:v0+s19+$0x0], $0xffff  }
0x12a: {  	v3 =	vld.idx.msk [tilespmem:v3+s19+$0x0], $0xffff  }
0x12b: {  	v1 =	vld.idx.msk [tilespmem:v1+s19+$0x0], $0xffff  }
0x12c: {  	v2 =	vld.idx.msk [tilespmem:v2+s19+$0x0], $0xffff  }
0x12d: {  	v4 =	vld.idx.msk [tilespmem:v4+s19+$0x0], $0xffff  }
0x12e: {  	v5 =	vld.idx.msk [tilespmem:v5+s19+$0x0], $0xffff;
	_ =	sdelay $0x2  }
0x12f: {  	v28 =	vshll.u32 v6, $0x2;
	v0 =	vmul.f32 v1, v0;
	v26 =	vmul.f32 v2, v3  }
0x130: {  	v30 =	vand.u32 $0x7F, v6;
	v32 =	vshll.u32 v27, $0x2;
	v1 =	vand.u32 $0xFFFFFE00, v28  }
0x131: {  	v29 =	vmul.f32 v5, v4;
	v1 =	vor.u32 v30, v1;
	v0 =	vadd.f32 v26, v0  }
0x132: {  	v2 =	vand.u32 $0x7F, v27;
	v4 =	vand.u32 $0xFFFFFE00, v32;
	v31 =	vor.u32 $0x80, v1  }
0x133: {  	v2 =	vor.u32 v2, v4;
	v0 =	vadd.f32 v29, v0  }
0x134: {  	v35 =	vld [tilespmem:$0x26E0];
	v34 =	vor.u32 $0x80, v2  }
0x135: {  	v7 =	vld [tilespmem:$0x4E60];
	v33 =	vor.u32 $0x100, v1;
	[tilespmem:$0x18D00] =	vst v0  }
0x136: {  	v4 =	vor.u32 $0x100, v2;
	v1 =	vld.idx.msk [tilespmem:v1+s19+$0x0], $0xffff  }
0x137: {  	v3 =	vld.idx.msk [tilespmem:v31+s19+$0x0], $0xffff  }
0x138: {  	v2 =	vld.idx.msk [tilespmem:v2+s19+$0x0], $0xffff  }
0x139: {  	v0 =	vld.idx.msk [tilespmem:v34+s19+$0x0], $0xffff  }
0x13a: {  	v5 =	vld.idx.msk [tilespmem:v33+s19+$0x0], $0xffff  }
0x13b: {  	v4 =	vld.idx.msk [tilespmem:v4+s19+$0x0], $0xffff;
	_ =	sdelay $0x2  }
0x13c: {  	v36 =	vshll.u32 v35, $0x2;
	v1 =	vmul.f32 v2, v1;
	v0 =	vmul.f32 v0, v3  }
0x13d: {  	v37 =	vand.u32 $0x7F, v35;
	v39 =	vshll.u32 v7, $0x2;
	v2 =	vand.u32 $0xFFFFFE00, v36  }
0x13e: {  	v38 =	vmul.f32 v4, v5;
	v0 =	vadd.f32 v0, v1;
	v1 =	vor.u32 v37, v2  }
0x13f: {  	v41 =	vand.u32 $0x7F, v7;
	v2 =	vand.u32 $0xFFFFFE00, v39;
	v40 =	vor.u32 $0x80, v1  }
0x140: {  	v2 =	vor.u32 v41, v2;
	v0 =	vadd.f32 v38, v0  }
0x141: {  	v44 =	vld [tilespmem:$0x26F0];
	v42 =	vor.u32 $0x80, v2  }
0x142: {  	v46 =	vld [tilespmem:$0x4E70];
	v43 =	vor.u32 $0x100, v1;
	[tilespmem:$0x18D10] =	vst v0  }
0x143: {  	v5 =	vor.u32 $0x100, v2;
	v1 =	vld.idx.msk [tilespmem:v1+s19+$0x0], $0xffff  }
0x144: {  	v4 =	vld.idx.msk [tilespmem:v40+s19+$0x0], $0xffff  }
0x145: {  	v2 =	vld.idx.msk [tilespmem:v2+s19+$0x0], $0xffff  }
0x146: {  	v3 =	vld.idx.msk [tilespmem:v42+s19+$0x0], $0xffff  }
0x147: {  	v0 =	vld.idx.msk [tilespmem:v43+s19+$0x0], $0xffff  }
0x148: {  	v5 =	vld.idx.msk [tilespmem:v5+s19+$0x0], $0xffff;
	_ =	sdelay $0x2  }
0x149: {  	v47 =	vshll.u32 v44, $0x2;
	v1 =	vmul.f32 v2, v1;
	v45 =	vmul.f32 v3, v4  }
0x14a: {  	v48 =	vand.u32 $0x7F, v44;
	v50 =	vshll.u32 v46, $0x2;
	v2 =	vand.u32 $0xFFFFFE00, v47  }
0x14b: {  	v0 =	vmul.f32 v5, v0;
	v2 =	vor.u32 v48, v2;
	v1 =	vadd.f32 v45, v1  }
0x14c: {  	v3 =	vand.u32 $0x7F, v46;
	v4 =	vand.u32 $0xFFFFFE00, v50;
	v49 =	vor.u32 $0x80, v2  }
0x14d: {  	v3 =	vor.u32 v3, v4;
	v0 =	vadd.f32 v0, v1  }
0x14e: {  	v53 =	vld [tilespmem:$0x2700];
	v52 =	vor.u32 $0x80, v3  }
0x14f: {  	v54 =	vld [tilespmem:$0x4E80];
	v51 =	vor.u32 $0x100, v2;
	[tilespmem:$0x18D20] =	vst v0  }
0x150: {  	v4 =	vor.u32 $0x100, v3;
	v2 =	vld.idx.msk [tilespmem:v2+s19+$0x0], $0xffff  }
0x151: {  	v1 =	vld.idx.msk [tilespmem:v49+s19+$0x0], $0xffff  }
0x152: {  	v3 =	vld.idx.msk [tilespmem:v3+s19+$0x0], $0xffff  }
0x153: {  	v0 =	vld.idx.msk [tilespmem:v52+s19+$0x0], $0xffff  }
0x154: {  	v5 =	vld.idx.msk [tilespmem:v51+s19+$0x0], $0xffff  }
0x155: {  	v4 =	vld.idx.msk [tilespmem:v4+s19+$0x0], $0xffff;
	_ =	sdelay $0x2  }
0x156: {  	v55 =	vshll.u32 v53, $0x2;
	v2 =	vmul.f32 v3, v2;
	v0 =	vmul.f32 v0, v1  }
0x157: {  	v56 =	vand.u32 $0x7F, v53;
	v58 =	vshll.u32 v54, $0x2;
	v1 =	vand.u32 $0xFFFFFE00, v55  }
0x158: {  	v57 =	vmul.f32 v4, v5;
	v1 =	vor.u32 v56, v1;
	v0 =	vadd.f32 v0, v2  }
0x159: {  	v60 =	vand.u32 $0x7F, v54;
	v59 =	vor.u32 $0x80, v1;
	v2 =	vand.u32 $0xFFFFFE00, v58  }
0x15a: {  	v2 =	vor.u32 v60, v2;
	v0 =	vadd.f32 v57, v0  }
0x15b: {  	v61 =	vor.u32 $0x80, v2  }
0x15c: {  	v62 =	vor.u32 $0x100, v1;
	[tilespmem:$0x18D30] =	vst v0  }
0x15d: {  	v5 =	vor.u32 $0x100, v2;
	v1 =	vld.idx.msk [tilespmem:v1+s19+$0x0], $0xffff  }
0x15e: {  	v4 =	vld.idx.msk [tilespmem:v59+s19+$0x0], $0xffff  }
0x15f: {  	v2 =	vld.idx.msk [tilespmem:v2+s19+$0x0], $0xffff  }
0x160: {  	v3 =	vld.idx.msk [tilespmem:v61+s19+$0x0], $0xffff  }
0x161: {  	v0 =	vld.idx.msk [tilespmem:v62+s19+$0x0], $0xffff  }
0x162: {  	v5 =	vld.idx.msk [tilespmem:v5+s19+$0x0], $0xffff;
	_ =	sdelay $0x2  }
0x163: {  	v1 =	vmul.f32 v2, v1;
	v63 =	vmul.f32 v3, v4;
	_ =	sdelay $0x1  }
0x164: {  	v0 =	vmul.f32 v5, v0;
	v1 =	vadd.f32 v63, v1;
	_ =	sdelay $0x1  }
0x165: {  	v0 =	vadd.f32 v0, v1;
	_ =	sdelay $0x1  }
0x166: {  	[tilespmem:$0x18D40] =	vst v0  }
0x167: {  	_ =	swait.ge [sflag:s25], $0x2800  }
0x168: {  	[sflag:s25] =	ssyncset.done $0x0  }
0x169: {  	[sflag:s25] =	ssyncadd.s32 $0xFFFFD800  }
0x16a: {  	_ =	swait.ge [sflag:s25], $0x2800  }
0x16b: {  	[sflag:s25] =	ssyncset.done $0x0  }
0x16c: {  	s2 =	rddreg [dreg:$0x7];
	[sflag:s25] =	ssyncadd.s32 $0xFFFFD800  }
0x16d: {  	[hbm4b:s2+s4] =	stream.linear.scatter [tilespmem:s21], [sflag:$0x3], $0x2800, $0x38;
	[tilespmem:$0x18E00] =	vst v63  }
0x16e: {  	s15 =	rddreg [dreg:$0x8]  }
0x16f: {  	[hbm4b:s15+s4] =	stream.linear.scatter [tilespmem:s22], [sflag:$0x3], $0x2800, $0x38;
	[tilespmem:$0x18E00] =	vst v63  }
0x170: {  	s16 =	rddreg [dreg:$0x9]  }
0x171: {  	[hbm4b:s16+s4] =	stream.linear.scatter [tilespmem:s26], [sflag:$0x3], $0x50, $0x38;
	[tilespmem:$0x18E00] =	vst v63  }
0x172: {  	_ =	swait.ge [sflag:s28], $0x2800  }
0x173: {  	[sflag:s28] =	ssyncset.done $0x0  }
0x174: {  	[sflag:s28] =	ssyncadd.s32 $0xFFFFD800  }
0x175: {  	_ =	swait.ge [sflag:s28], $0x2800  }
0x176: {  	[sflag:s28] =	ssyncset.done $0x0  }
0x177: {  	[sflag:s28] =	ssyncadd.s32 $0xFFFFD800  }
0x178: {  	_ =	swait.ge [sflag:s28], $0x50  }
0x179: {  	s31 =	sadd.s32 $0x1, s31;
	s18 =	rddreg [dreg:$0xa]  }
0x17a: {  	p0 =	sne.s32 s31, s18  }
.Ltmp1:
0x17b: {  	_ = 	snop;
	(pc) =	sbr.rel @p0 .LBB2_1-.Ltmp1, $3  }
0x17c: {  	_ =	sdelay $0x1  }
0x17d: {  	[sflag:s28] =	ssyncset.done $0x0  }
0x17e: {  	[sflag:s28] =	ssyncadd.s32 $0xFFFFFFB0  }
0x17f: {  	_ =	sfence.sel $0x180000  }
0x180: {  	[bflag:$0x0] =	sbarrier.arrive $0xFFFF  }
0x181: {  	_ =	strace $0x90000047  }
0x182: {  	s0 =	stileid.u32;
	[bflag:$0x2] =	sbarrier.arrive $0xFFFF  }
0x183: {  	p0 =	sne.s32 s0, $0x0;
	s0 =	rddreg [dreg:$0x3]  }
0x184: {  	s0 =	sadd.s32 @!p0 $0x100000, s0  }
0x185: {  	[sflag:s0] =	ssyncadd.tile.s32 @!p0 $0x1;
	_ =	shalt  }
.Lfunc_end2:
_tile_overlayer_lowered:
.L_overlay_start_2:
0x186: {  	(tag) =	ssettag $0x2  }
0x187: {  	s0 =	rddreg [dreg:$0x0];
	s2 =	stileid.u32  }
0x188: {  	s1 =	rddreg [dreg:$0x1];
	p0 =	sne.s32 s2, $0x0  }
0x189: {  	s3 =	rddreg [dreg:$0x2];
	[bflag:$0x3] =	sbarrier.arrive $0xFFFF;
	s2 =	simm.s32 @!p0 $0x1C05  }
0x18a: {  	[timem:s3], [sflag:s2] =	dma.local @!p0 [hbm:s0], s1  }
0x18b: {  	s0 =	simm.s32 @!p0 $0x5  }
0x18c: {  	_ =	swait.ge @!p0 [sflag:s0], s1  }
0x18d: {  	s1 =	ssub.s32 @!p0 $0x0, s1;
	[sflag:s0] =	ssyncset.done @!p0 $0x0  }
0x18e: {  	[sflag:s0] =	ssyncadd.s32 @!p0 s1  }
0x18f: {  	[bflag:$0x3] =	sbarrier.arrive $0xFFFF  }
0x190: {  	_ =	shalt  }

</sc_bundles>
